<compile_context>
chip_gen: v7x
topology: tpu7x:2x2x1
jax: 0.10.2.dev20260603
libtpu: 0.0.44.dev20260713+nightly
codegen_flags: <defaults>
</compile_context>

<pallas_src>
import functools

import jax
import jax.numpy as jnp
from jax import lax
from jax.experimental import pallas as pl
from jax.experimental.pallas import tpu as pltpu
from jax.experimental.pallas import tpu_sc as plsc

N_NODES = 100000
N_EDGES = 6400000
NUM_TYPES = 8

NC = 2
NS = 16
NW = NC * NS
EPW = N_EDGES // NW
CHUNK = 400
NCHUNK = EPW // CHUNK
ROWS = 784
ROWS_PER_TILE = ROWS // NS
VPC = CHUNK // 16


def _prep_table(raw_hbm, stage_v, tab_v, scale):
    pltpu.sync_copy(raw_hbm, stage_v)
    for g in range(4):
        k = lax.iota(jnp.int32, 16) + g * 16
        i = lax.shift_right_logical(k, 3)
        j = k & 7
        row = jnp.minimum(i, j)
        col = jnp.maximum(i, j)
        v = plsc.load_gather(stage_v, [lax.shift_left(row, 3) | col])
        v = jnp.maximum(v, 0.0) * scale
        tab_v[pl.ds(g * 16, 16)] = v


def _sc_body(dst_hbm, src_hbm, tp_hbm, len_hbm, cut_hbm, sig_hbm, del_hbm, eps_hbm,
             out_hbm,
             acc_v, tp_v, stab_v, dtab_v, etab_v, stage_v,
             bdst_v, bsrc_v, blen_v, bcut_v):
    cid = lax.axis_index("c")
    sid = lax.axis_index("s")
    wid = cid * NS + sid

    pltpu.sync_copy(tp_hbm, tp_v)
    _prep_table(sig_hbm, stage_v, stab_v, 1.0)
    _prep_table(del_hbm, stage_v, dtab_v, 1.0)
    _prep_table(eps_hbm, stage_v, etab_v, 2.0)

    zf = jnp.zeros((16,), jnp.float32)

    def zbody(r, _):
        for k in range(8):
            acc_v[r, pl.ds(k * 16, 16)] = zf
        return 0

    lax.fori_loop(0, ROWS, zbody, 0)

    base = wid * EPW

    def chunk_body(ci, _):
        off = base + ci * CHUNK
        pltpu.sync_copy(dst_hbm.at[pl.ds(off, CHUNK)], bdst_v)
        pltpu.sync_copy(src_hbm.at[pl.ds(off, CHUNK)], bsrc_v)
        pltpu.sync_copy(len_hbm.at[pl.ds(off, CHUNK)], blen_v)
        pltpu.sync_copy(cut_hbm.at[pl.ds(off, CHUNK)], bcut_v)

        def vec_body(v, _):
            sl = pl.ds(v * 16, 16)
            dst = bdst_v[sl]
            src = bsrc_v[sl]
            w1 = plsc.load_gather(tp_v, [lax.shift_right_logical(dst, 2)])
            t1 = lax.shift_right_logical(w1, lax.shift_left(dst & 3, 3)) & 7
            w2 = plsc.load_gather(tp_v, [lax.shift_right_logical(src, 2)])
            t2 = lax.shift_right_logical(w2, lax.shift_left(src & 3, 3)) & 7
            pidx = lax.shift_left(t1, 3) | t2
            s = plsc.load_gather(stab_v, [pidx])
            d = plsc.load_gather(dtab_v, [pidx])
            e2 = plsc.load_gather(etab_v, [pidx])
            ln = blen_v[sl]
            ct = bcut_v[sl]
            b = s / (ln - d)
            b2 = b * b
            p = b2 * b2 * b2
            val = e2 * ct * (p * p - p)
            row = lax.shift_right_logical(dst, 7)
            col = dst & 127
            plsc.addupdate_scatter(acc_v, [row, col], val)
            return 0

        lax.fori_loop(0, VPC, vec_body, 0)
        return 0

    lax.fori_loop(0, NCHUNK, chunk_body, 0)

    pltpu.sync_copy(acc_v, out_hbm.at[wid])


_sc_call = functools.partial(
    pl.kernel,
    out_type=jax.ShapeDtypeStruct((NW, ROWS, 128), jnp.float32),
    mesh=plsc.VectorSubcoreMesh(core_axis_name="c", subcore_axis_name="s",
                                num_cores=NC, num_subcores=NS),
    compiler_params=pltpu.CompilerParams(needs_layout_passes=False),
    scratch_types=[
        pltpu.VMEM((ROWS, 128), jnp.float32),
        pltpu.VMEM((N_NODES // 4,), jnp.int32),
        pltpu.VMEM((64,), jnp.float32),
        pltpu.VMEM((64,), jnp.float32),
        pltpu.VMEM((64,), jnp.float32),
        pltpu.VMEM((64,), jnp.float32),
        pltpu.VMEM((CHUNK,), jnp.int32),
        pltpu.VMEM((CHUNK,), jnp.int32),
        pltpu.VMEM((CHUNK,), jnp.float32),
        pltpu.VMEM((CHUNK,), jnp.float32),
    ],
)(_sc_body)


def _combine_body(p_ref, o_ref):
    o_ref[...] = jnp.sum(p_ref[...], axis=0)


_combine = pl.pallas_call(
    _combine_body,
    grid=(ROWS // 112,),
    in_specs=[pl.BlockSpec((NW, 112, 128), lambda i: (0, i, 0))],
    out_specs=pl.BlockSpec((112, 128), lambda i: (i, 0)),
    out_shape=jax.ShapeDtypeStruct((ROWS, 128), jnp.float32),
)


def kernel(edge_index, atom_types, edge_lengths, edge_cutoff, sigma, delta, epsilon):
    a = atom_types.reshape(N_NODES // 4, 4)
    tp = (a[:, 0] | (a[:, 1] << 8) | (a[:, 2] << 16) | (a[:, 3] << 24))
    partials = _sc_call(edge_index[0], edge_index[1], tp, edge_lengths,
                        edge_cutoff.reshape(-1), sigma.reshape(-1),
                        delta.reshape(-1), epsilon.reshape(-1))
    comb = _combine(partials)
    return comb.reshape(-1)[:N_NODES].reshape(-1, 1)

# --- scband reference (transcript-rebuilt; emitter-appended) ---
"""Pipeline reference for scband-lennard-jones-50697793962073 (READ-ONLY COPY).

The authoritative reference and input builder live on the scoring server;
editing this copy changes nothing except your own understanding.
"""

import jax, jax.numpy as jnp
import numpy as np

N_NODES = 100000
N_EDGES = 6400000
NUM_TYPES = 8
EXPONENT = 6.0


def _lj_param(param, index1, index2):
    # Faithful port of _LJParam.forward: symmetrize triu-stored table,
    # gather per-edge via flattened index, then relu. Reshape to [E, 1]
    # so all per-edge quantities broadcast elementwise against edge_len [E, 1].
    T = param.shape[0]
    p = jnp.triu(param) + jnp.triu(param, 1).T
    p = p.reshape(-1)[index1 * T + index2]
    return jax.nn.relu(p).reshape(-1, 1)


def setup_inputs(seed: int = 0) -> dict:
    key = jax.random.key(seed)
    ks = jax.random.split(key, 6)
    edge_index = jax.random.randint(ks[0], (2, N_EDGES), 0, N_NODES, dtype=jnp.int32)
    atom_types = jax.random.randint(ks[1], (N_NODES,), 0, NUM_TYPES, dtype=jnp.int32)
    # edge lengths shifted into [0.5, 1.5) so (len - delta)^(-6) stays finite
    edge_lengths = jax.random.uniform(ks[2], (N_EDGES,), jnp.float32, 0.5, 1.5)
    edge_cutoff = jax.random.uniform(ks[3], (N_EDGES, 1), jnp.float32)
    # learned per-type-pair parameter tables (num_types x num_types)
    sigma = jax.random.uniform(ks[4], (NUM_TYPES, NUM_TYPES), jnp.float32, 0.5, 1.5)
    delta = jax.random.uniform(ks[5], (NUM_TYPES, NUM_TYPES), jnp.float32, 0.0, 0.1)
    epsilon = jax.random.uniform(jax.random.fold_in(key, 7), (NUM_TYPES, NUM_TYPES), jnp.float32, 0.5, 1.5)
    return {
        "edge_index": edge_index,
        "atom_types": atom_types,
        "edge_lengths": edge_lengths,
        "edge_cutoff": edge_cutoff,
        "sigma": sigma,
        "delta": delta,
        "epsilon": epsilon,
    }


def reference(edge_index, atom_types, edge_lengths, edge_cutoff, sigma, delta, epsilon):
    # lj_style == 'lj' branch of LennardJones.forward
    edge_center = edge_index[0]
    edge_types = atom_types[edge_index.reshape(-1)].reshape(2, -1)
    index1 = edge_types[0]
    index2 = edge_types[1]
    s = _lj_param(sigma, index1, index2)      # [E, 1]
    d = _lj_param(delta, index1, index2)      # [E, 1]
    e = _lj_param(epsilon, index1, index2)    # [E, 1]
    edge_len = edge_lengths[:, None]          # [E, 1]
    lj_eng = (s / (edge_len - d)) ** EXPONENT
    lj_eng = -lj_eng
    lj_eng = lj_eng + jnp.square(lj_eng)
    lj_eng = 2.0 * e * lj_eng
    lj_eng = lj_eng * edge_cutoff
    atomic_eng = jax.ops.segment_sum(lj_eng, edge_center, num_segments=N_NODES)
    return atomic_eng  # [N, 1] per-atom energy

if __name__ == "__main__":
    import jax
    _d = setup_inputs()
    print(jax.jit(kernel)(*tuple(_d.values())))

</pallas_src>

<mosaic_0001>
#map = affine_map<(d0, d1) -> (0)>
#map1 = affine_map<(d0, d1) -> (0, 0, 0)>
module attributes {stable_mosaic.version = 14 : i64} {
  func.func @_sc_body(%arg0: i32, %arg1: i32, %arg2: memref<6400000xi32, #tpu.memory_space<hbm>>, %arg3: memref<6400000xi32, #tpu.memory_space<hbm>>, %arg4: memref<25000xi32, #tpu.memory_space<hbm>>, %arg5: memref<6400000xf32, #tpu.memory_space<hbm>>, %arg6: memref<6400000xf32, #tpu.memory_space<hbm>>, %arg7: memref<64xf32, #tpu.memory_space<hbm>>, %arg8: memref<64xf32, #tpu.memory_space<hbm>>, %arg9: memref<64xf32, #tpu.memory_space<hbm>>, %arg10: memref<32x784x128xf32, #tpu.memory_space<hbm>>, %arg11: memref<784x128xf32, #tpu.memory_space<vmem>>, %arg12: memref<25000xi32, #tpu.memory_space<vmem>>, %arg13: memref<64xf32, #tpu.memory_space<vmem>>, %arg14: memref<64xf32, #tpu.memory_space<vmem>>, %arg15: memref<64xf32, #tpu.memory_space<vmem>>, %arg16: memref<64xf32, #tpu.memory_space<vmem>>, %arg17: memref<400xi32, #tpu.memory_space<vmem>>, %arg18: memref<400xi32, #tpu.memory_space<vmem>>, %arg19: memref<400xf32, #tpu.memory_space<vmem>>, %arg20: memref<400xf32, #tpu.memory_space<vmem>>) attributes {dimension_semantics = [#tpu.dimension_semantics<core_parallel>, #tpu.dimension_semantics<subcore_parallel>], iteration_bounds = array<i64: 2, 16>, scalar_prefetch = 0 : i64, scratch_operands = 10 : i64, tpu.core_type = #tpu.core_type<sc_vector_subcore>, window_params = [{transform_indices = #map}, {transform_indices = #map}, {transform_indices = #map}, {transform_indices = #map}, {transform_indices = #map}, {transform_indices = #map}, {transform_indices = #map}, {transform_indices = #map}, {transform_indices = #map1}]} {
    %mul3A = arith.constant 16 : i32
    %mul3A_0 = arith.muli %arg0, %mul3A : i32
    %add3A = arith.addi %mul3A_0, %arg1 : i32
    "tpu.region"() ({
      %run_scoped3A = tpu.sem_alloc : memref<!tpu.dma_semaphore, #tpu.memory_space<semaphore_mem>>
      tpu.enqueue_dma source(%arg4 : memref<25000xi32, #tpu.memory_space<hbm>>) target(%arg12 : memref<25000xi32, #tpu.memory_space<vmem>>) target_semaphore(%run_scoped3A : memref<!tpu.dma_semaphore, #tpu.memory_space<semaphore_mem>>)
      tpu.wait_dma2 semaphore(%run_scoped3A : memref<!tpu.dma_semaphore, #tpu.memory_space<semaphore_mem>>) src(%arg4 : memref<25000xi32, #tpu.memory_space<hbm>>) dst(%arg12 : memref<25000xi32, #tpu.memory_space<vmem>>)
      tpu.yield
    }) : () -> ()
    "tpu.region"() ({
      %run_scoped3A = tpu.sem_alloc : memref<!tpu.dma_semaphore, #tpu.memory_space<semaphore_mem>>
      tpu.enqueue_dma source(%arg7 : memref<64xf32, #tpu.memory_space<hbm>>) target(%arg16 : memref<64xf32, #tpu.memory_space<vmem>>) target_semaphore(%run_scoped3A : memref<!tpu.dma_semaphore, #tpu.memory_space<semaphore_mem>>)
      tpu.wait_dma2 semaphore(%run_scoped3A : memref<!tpu.dma_semaphore, #tpu.memory_space<semaphore_mem>>) src(%arg7 : memref<64xf32, #tpu.memory_space<hbm>>) dst(%arg16 : memref<64xf32, #tpu.memory_space<vmem>>)
      tpu.yield
    }) : () -> ()
    %iota3A = tpu.iota {dimensions = array<i32: 0>} : vector<16xi32>
    %add3A_1 = arith.constant 0 : i32
    %add3A_2 = vector.broadcast %add3A_1 : i32 to vector<16xi32>
    %add3A_3 = arith.addi %iota3A, %add3A_2 : vector<16xi32>
    %shift_right_logical3A = arith.constant 3 : i32
    %shift_right_logical3A_4 = vector.broadcast %shift_right_logical3A : i32 to vector<16xi32>
    %shift_right_logical3A_5 = arith.shrui %add3A_3, %shift_right_logical3A_4 : vector<16xi32>
    %and3A = arith.constant 7 : i32
    %and3A_6 = vector.broadcast %and3A : i32 to vector<16xi32>
    %and3A_7 = arith.andi %add3A_3, %and3A_6 : vector<16xi32>
    %min3A = arith.minsi %shift_right_logical3A_5, %and3A_7 : vector<16xi32>
    %max3A = arith.maxsi %shift_right_logical3A_5, %and3A_7 : vector<16xi32>
    %shift_left3A = arith.constant 3 : i32
    %shift_left3A_8 = vector.broadcast %shift_left3A : i32 to vector<16xi32>
    %shift_left3A_9 = arith.shli %min3A, %shift_left3A_8 : vector<16xi32>
    %or3A = arith.ori %shift_left3A_9, %max3A : vector<16xi32>
    %gather3A = tpu.vector_load_idx %arg16[%or3A] : memref<64xf32, #tpu.memory_space<vmem>>[vector<16xi32>], vector<16xf32>,
    %max3A_10 = arith.constant 0.000000e+00 : f32
    %max3A_11 = vector.broadcast %max3A_10 : f32 to vector<16xf32>
    %max3A_12 = arith.maximumf %gather3A, %max3A_11 : vector<16xf32>
    %mul3A_13 = arith.constant 1.000000e+00 : f32
    %mul3A_14 = vector.broadcast %mul3A_13 : f32 to vector<16xf32>
    %mul3A_15 = arith.mulf %max3A_12, %mul3A_14 : vector<16xf32>
    %swap3A = arith.constant 0 : index
    %swap3A_16 = tpu.vector_load %arg13[%swap3A] {strides = array<i32>} : memref<64xf32, #tpu.memory_space<vmem>>, vector<16xf32>,
    tpu.vector_store %arg13[%swap3A], %mul3A_15 {strides = array<i32>} : memref<64xf32, #tpu.memory_space<vmem>>, vector<16xf32>,
    %iota3A_17 = tpu.iota {dimensions = array<i32: 0>} : vector<16xi32>
    %add3A_18 = arith.constant 16 : i32
    %add3A_19 = vector.broadcast %add3A_18 : i32 to vector<16xi32>
    %add3A_20 = arith.addi %iota3A_17, %add3A_19 : vector<16xi32>
    %shift_right_logical3A_21 = arith.constant 3 : i32
    %shift_right_logical3A_22 = vector.broadcast %shift_right_logical3A_21 : i32 to vector<16xi32>
    %shift_right_logical3A_23 = arith.shrui %add3A_20, %shift_right_logical3A_22 : vector<16xi32>
    %and3A_24 = arith.constant 7 : i32
    %and3A_25 = vector.broadcast %and3A_24 : i32 to vector<16xi32>
    %and3A_26 = arith.andi %add3A_20, %and3A_25 : vector<16xi32>
    %min3A_27 = arith.minsi %shift_right_logical3A_23, %and3A_26 : vector<16xi32>
    %max3A_28 = arith.maxsi %shift_right_logical3A_23, %and3A_26 : vector<16xi32>
    %shift_left3A_29 = arith.constant 3 : i32
    %shift_left3A_30 = vector.broadcast %shift_left3A_29 : i32 to vector<16xi32>
    %shift_left3A_31 = arith.shli %min3A_27, %shift_left3A_30 : vector<16xi32>
    %or3A_32 = arith.ori %shift_left3A_31, %max3A_28 : vector<16xi32>
    %gather3A_33 = tpu.vector_load_idx %arg16[%or3A_32] : memref<64xf32, #tpu.memory_space<vmem>>[vector<16xi32>], vector<16xf32>,
    %max3A_34 = arith.constant 0.000000e+00 : f32
    %max3A_35 = vector.broadcast %max3A_34 : f32 to vector<16xf32>
    %max3A_36 = arith.maximumf %gather3A_33, %max3A_35 : vector<16xf32>
    %mul3A_37 = arith.constant 1.000000e+00 : f32
    %mul3A_38 = vector.broadcast %mul3A_37 : f32 to vector<16xf32>
    %mul3A_39 = arith.mulf %max3A_36, %mul3A_38 : vector<16xf32>
    %swap3A_40 = arith.constant 16 : index
    %swap3A_41 = tpu.vector_load %arg13[%swap3A_40] {strides = array<i32>} : memref<64xf32, #tpu.memory_space<vmem>>, vector<16xf32>,
    tpu.vector_store %arg13[%swap3A_40], %mul3A_39 {strides = array<i32>} : memref<64xf32, #tpu.memory_space<vmem>>, vector<16xf32>,
    %iota3A_42 = tpu.iota {dimensions = array<i32: 0>} : vector<16xi32>
    %add3A_43 = arith.constant 32 : i32
    %add3A_44 = vector.broadcast %add3A_43 : i32 to vector<16xi32>
    %add3A_45 = arith.addi %iota3A_42, %add3A_44 : vector<16xi32>
    %shift_right_logical3A_46 = arith.constant 3 : i32
    %shift_right_logical3A_47 = vector.broadcast %shift_right_logical3A_46 : i32 to vector<16xi32>
    %shift_right_logical3A_48 = arith.shrui %add3A_45, %shift_right_logical3A_47 : vector<16xi32>
    %and3A_49 = arith.constant 7 : i32
    %and3A_50 = vector.broadcast %and3A_49 : i32 to vector<16xi32>
    %and3A_51 = arith.andi %add3A_45, %and3A_50 : vector<16xi32>
    %min3A_52 = arith.minsi %shift_right_logical3A_48, %and3A_51 : vector<16xi32>
    %max3A_53 = arith.maxsi %shift_right_logical3A_48, %and3A_51 : vector<16xi32>
    %shift_left3A_54 = arith.constant 3 : i32
    %shift_left3A_55 = vector.broadcast %shift_left3A_54 : i32 to vector<16xi32>
    %shift_left3A_56 = arith.shli %min3A_52, %shift_left3A_55 : vector<16xi32>
    %or3A_57 = arith.ori %shift_left3A_56, %max3A_53 : vector<16xi32>
    %gather3A_58 = tpu.vector_load_idx %arg16[%or3A_57] : memref<64xf32, #tpu.memory_space<vmem>>[vector<16xi32>], vector<16xf32>,
    %max3A_59 = arith.constant 0.000000e+00 : f32
    %max3A_60 = vector.broadcast %max3A_59 : f32 to vector<16xf32>
    %max3A_61 = arith.maximumf %gather3A_58, %max3A_60 : vector<16xf32>
    %mul3A_62 = arith.constant 1.000000e+00 : f32
    %mul3A_63 = vector.broadcast %mul3A_62 : f32 to vector<16xf32>
    %mul3A_64 = arith.mulf %max3A_61, %mul3A_63 : vector<16xf32>
    %swap3A_65 = arith.constant 32 : index
    %swap3A_66 = tpu.vector_load %arg13[%swap3A_65] {strides = array<i32>} : memref<64xf32, #tpu.memory_space<vmem>>, vector<16xf32>,
    tpu.vector_store %arg13[%swap3A_65], %mul3A_64 {strides = array<i32>} : memref<64xf32, #tpu.memory_space<vmem>>, vector<16xf32>,
    %iota3A_67 = tpu.iota {dimensions = array<i32: 0>} : vector<16xi32>
    %add3A_68 = arith.constant 48 : i32
    %add3A_69 = vector.broadcast %add3A_68 : i32 to vector<16xi32>
    %add3A_70 = arith.addi %iota3A_67, %add3A_69 : vector<16xi32>
    %shift_right_logical3A_71 = arith.constant 3 : i32
    %shift_right_logical3A_72 = vector.broadcast %shift_right_logical3A_71 : i32 to vector<16xi32>
    %shift_right_logical3A_73 = arith.shrui %add3A_70, %shift_right_logical3A_72 : vector<16xi32>
    %and3A_74 = arith.constant 7 : i32
    %and3A_75 = vector.broadcast %and3A_74 : i32 to vector<16xi32>
    %and3A_76 = arith.andi %add3A_70, %and3A_75 : vector<16xi32>
    %min3A_77 = arith.minsi %shift_right_logical3A_73, %and3A_76 : vector<16xi32>
    %max3A_78 = arith.maxsi %shift_right_logical3A_73, %and3A_76 : vector<16xi32>
    %shift_left3A_79 = arith.constant 3 : i32
    %shift_left3A_80 = vector.broadcast %shift_left3A_79 : i32 to vector<16xi32>
    %shift_left3A_81 = arith.shli %min3A_77, %shift_left3A_80 : vector<16xi32>
    %or3A_82 = arith.ori %shift_left3A_81, %max3A_78 : vector<16xi32>
    %gather3A_83 = tpu.vector_load_idx %arg16[%or3A_82] : memref<64xf32, #tpu.memory_space<vmem>>[vector<16xi32>], vector<16xf32>,
    %max3A_84 = arith.constant 0.000000e+00 : f32
    %max3A_85 = vector.broadcast %max3A_84 : f32 to vector<16xf32>
    %max3A_86 = arith.maximumf %gather3A_83, %max3A_85 : vector<16xf32>
    %mul3A_87 = arith.constant 1.000000e+00 : f32
    %mul3A_88 = vector.broadcast %mul3A_87 : f32 to vector<16xf32>
    %mul3A_89 = arith.mulf %max3A_86, %mul3A_88 : vector<16xf32>
    %swap3A_90 = arith.constant 48 : index
    %swap3A_91 = tpu.vector_load %arg13[%swap3A_90] {strides = array<i32>} : memref<64xf32, #tpu.memory_space<vmem>>, vector<16xf32>,
    tpu.vector_store %arg13[%swap3A_90], %mul3A_89 {strides = array<i32>} : memref<64xf32, #tpu.memory_space<vmem>>, vector<16xf32>,
    "tpu.region"() ({
      %run_scoped3A = tpu.sem_alloc : memref<!tpu.dma_semaphore, #tpu.memory_space<semaphore_mem>>
      tpu.enqueue_dma source(%arg8 : memref<64xf32, #tpu.memory_space<hbm>>) target(%arg16 : memref<64xf32, #tpu.memory_space<vmem>>) target_semaphore(%run_scoped3A : memref<!tpu.dma_semaphore, #tpu.memory_space<semaphore_mem>>)
      tpu.wait_dma2 semaphore(%run_scoped3A : memref<!tpu.dma_semaphore, #tpu.memory_space<semaphore_mem>>) src(%arg8 : memref<64xf32, #tpu.memory_space<hbm>>) dst(%arg16 : memref<64xf32, #tpu.memory_space<vmem>>)
      tpu.yield
    }) : () -> ()
    %iota3A_92 = tpu.iota {dimensions = array<i32: 0>} : vector<16xi32>
    %add3A_93 = arith.constant 0 : i32
    %add3A_94 = vector.broadcast %add3A_93 : i32 to vector<16xi32>
    %add3A_95 = arith.addi %iota3A_92, %add3A_94 : vector<16xi32>
    %shift_right_logical3A_96 = arith.constant 3 : i32
    %shift_right_logical3A_97 = vector.broadcast %shift_right_logical3A_96 : i32 to vector<16xi32>
    %shift_right_logical3A_98 = arith.shrui %add3A_95, %shift_right_logical3A_97 : vector<16xi32>
    %and3A_99 = arith.constant 7 : i32
    %and3A_100 = vector.broadcast %and3A_99 : i32 to vector<16xi32>
    %and3A_101 = arith.andi %add3A_95, %and3A_100 : vector<16xi32>
    %min3A_102 = arith.minsi %shift_right_logical3A_98, %and3A_101 : vector<16xi32>
    %max3A_103 = arith.maxsi %shift_right_logical3A_98, %and3A_101 : vector<16xi32>
    %shift_left3A_104 = arith.constant 3 : i32
    %shift_left3A_105 = vector.broadcast %shift_left3A_104 : i32 to vector<16xi32>
    %shift_left3A_106 = arith.shli %min3A_102, %shift_left3A_105 : vector<16xi32>
    %or3A_107 = arith.ori %shift_left3A_106, %max3A_103 : vector<16xi32>
    %gather3A_108 = tpu.vector_load_idx %arg16[%or3A_107] : memref<64xf32, #tpu.memory_space<vmem>>[vector<16xi32>], vector<16xf32>,
    %max3A_109 = arith.constant 0.000000e+00 : f32
    %max3A_110 = vector.broadcast %max3A_109 : f32 to vector<16xf32>
    %max3A_111 = arith.maximumf %gather3A_108, %max3A_110 : vector<16xf32>
    %mul3A_112 = arith.constant 1.000000e+00 : f32
    %mul3A_113 = vector.broadcast %mul3A_112 : f32 to vector<16xf32>
    %mul3A_114 = arith.mulf %max3A_111, %mul3A_113 : vector<16xf32>
    %swap3A_115 = arith.constant 0 : index
    %swap3A_116 = tpu.vector_load %arg14[%swap3A_115] {strides = array<i32>} : memref<64xf32, #tpu.memory_space<vmem>>, vector<16xf32>,
    tpu.vector_store %arg14[%swap3A_115], %mul3A_114 {strides = array<i32>} : memref<64xf32, #tpu.memory_space<vmem>>, vector<16xf32>,
    %iota3A_117 = tpu.iota {dimensions = array<i32: 0>} : vector<16xi32>
    %add3A_118 = arith.constant 16 : i32
    %add3A_119 = vector.broadcast %add3A_118 : i32 to vector<16xi32>
    %add3A_120 = arith.addi %iota3A_117, %add3A_119 : vector<16xi32>
    %shift_right_logical3A_121 = arith.constant 3 : i32
    %shift_right_logical3A_122 = vector.broadcast %shift_right_logical3A_121 : i32 to vector<16xi32>
    %shift_right_logical3A_123 = arith.shrui %add3A_120, %shift_right_logical3A_122 : vector<16xi32>
    %and3A_124 = arith.constant 7 : i32
    %and3A_125 = vector.broadcast %and3A_124 : i32 to vector<16xi32>
    %and3A_126 = arith.andi %add3A_120, %and3A_125 : vector<16xi32>
    %min3A_127 = arith.minsi %shift_right_logical3A_123, %and3A_126 : vector<16xi32>
    %max3A_128 = arith.maxsi %shift_right_logical3A_123, %and3A_126 : vector<16xi32>
    %shift_left3A_129 = arith.constant 3 : i32
    %shift_left3A_130 = vector.broadcast %shift_left3A_129 : i32 to vector<16xi32>
    %shift_left3A_131 = arith.shli %min3A_127, %shift_left3A_130 : vector<16xi32>
    %or3A_132 = arith.ori %shift_left3A_131, %max3A_128 : vector<16xi32>
    %gather3A_133 = tpu.vector_load_idx %arg16[%or3A_132] : memref<64xf32, #tpu.memory_space<vmem>>[vector<16xi32>], vector<16xf32>,
    %max3A_134 = arith.constant 0.000000e+00 : f32
    %max3A_135 = vector.broadcast %max3A_134 : f32 to vector<16xf32>
    %max3A_136 = arith.maximumf %gather3A_133, %max3A_135 : vector<16xf32>
    %mul3A_137 = arith.constant 1.000000e+00 : f32
    %mul3A_138 = vector.broadcast %mul3A_137 : f32 to vector<16xf32>
    %mul3A_139 = arith.mulf %max3A_136, %mul3A_138 : vector<16xf32>
    %swap3A_140 = arith.constant 16 : index
    %swap3A_141 = tpu.vector_load %arg14[%swap3A_140] {strides = array<i32>} : memref<64xf32, #tpu.memory_space<vmem>>, vector<16xf32>,
    tpu.vector_store %arg14[%swap3A_140], %mul3A_139 {strides = array<i32>} : memref<64xf32, #tpu.memory_space<vmem>>, vector<16xf32>,
    %iota3A_142 = tpu.iota {dimensions = array<i32: 0>} : vector<16xi32>
    %add3A_143 = arith.constant 32 : i32
    %add3A_144 = vector.broadcast %add3A_143 : i32 to vector<16xi32>
    %add3A_145 = arith.addi %iota3A_142, %add3A_144 : vector<16xi32>
    %shift_right_logical3A_146 = arith.constant 3 : i32
    %shift_right_logical3A_147 = vector.broadcast %shift_right_logical3A_146 : i32 to vector<16xi32>
    %shift_right_logical3A_148 = arith.shrui %add3A_145, %shift_right_logical3A_147 : vector<16xi32>
    %and3A_149 = arith.constant 7 : i32
    %and3A_150 = vector.broadcast %and3A_149 : i32 to vector<16xi32>
    %and3A_151 = arith.andi %add3A_145, %and3A_150 : vector<16xi32>
    %min3A_152 = arith.minsi %shift_right_logical3A_148, %and3A_151 : vector<16xi32>
    %max3A_153 = arith.maxsi %shift_right_logical3A_148, %and3A_151 : vector<16xi32>
    %shift_left3A_154 = arith.constant 3 : i32
    %shift_left3A_155 = vector.broadcast %shift_left3A_154 : i32 to vector<16xi32>
    %shift_left3A_156 = arith.shli %min3A_152, %shift_left3A_155 : vector<16xi32>
    %or3A_157 = arith.ori %shift_left3A_156, %max3A_153 : vector<16xi32>
    %gather3A_158 = tpu.vector_load_idx %arg16[%or3A_157] : memref<64xf32, #tpu.memory_space<vmem>>[vector<16xi32>], vector<16xf32>,
    %max3A_159 = arith.constant 0.000000e+00 : f32
    %max3A_160 = vector.broadcast %max3A_159 : f32 to vector<16xf32>
    %max3A_161 = arith.maximumf %gather3A_158, %max3A_160 : vector<16xf32>
    %mul3A_162 = arith.constant 1.000000e+00 : f32
    %mul3A_163 = vector.broadcast %mul3A_162 : f32 to vector<16xf32>
    %mul3A_164 = arith.mulf %max3A_161, %mul3A_163 : vector<16xf32>
    %swap3A_165 = arith.constant 32 : index
    %swap3A_166 = tpu.vector_load %arg14[%swap3A_165] {strides = array<i32>} : memref<64xf32, #tpu.memory_space<vmem>>, vector<16xf32>,
    tpu.vector_store %arg14[%swap3A_165], %mul3A_164 {strides = array<i32>} : memref<64xf32, #tpu.memory_space<vmem>>, vector<16xf32>,
    %iota3A_167 = tpu.iota {dimensions = array<i32: 0>} : vector<16xi32>
    %add3A_168 = arith.constant 48 : i32
    %add3A_169 = vector.broadcast %add3A_168 : i32 to vector<16xi32>
    %add3A_170 = arith.addi %iota3A_167, %add3A_169 : vector<16xi32>
    %shift_right_logical3A_171 = arith.constant 3 : i32
    %shift_right_logical3A_172 = vector.broadcast %shift_right_logical3A_171 : i32 to vector<16xi32>
    %shift_right_logical3A_173 = arith.shrui %add3A_170, %shift_right_logical3A_172 : vector<16xi32>
    %and3A_174 = arith.constant 7 : i32
    %and3A_175 = vector.broadcast %and3A_174 : i32 to vector<16xi32>
    %and3A_176 = arith.andi %add3A_170, %and3A_175 : vector<16xi32>
    %min3A_177 = arith.minsi %shift_right_logical3A_173, %and3A_176 : vector<16xi32>
    %max3A_178 = arith.maxsi %shift_right_logical3A_173, %and3A_176 : vector<16xi32>
    %shift_left3A_179 = arith.constant 3 : i32
    %shift_left3A_180 = vector.broadcast %shift_left3A_179 : i32 to vector<16xi32>
    %shift_left3A_181 = arith.shli %min3A_177, %shift_left3A_180 : vector<16xi32>
    %or3A_182 = arith.ori %shift_left3A_181, %max3A_178 : vector<16xi32>
    %gather3A_183 = tpu.vector_load_idx %arg16[%or3A_182] : memref<64xf32, #tpu.memory_space<vmem>>[vector<16xi32>], vector<16xf32>,
    %max3A_184 = arith.constant 0.000000e+00 : f32
    %max3A_185 = vector.broadcast %max3A_184 : f32 to vector<16xf32>
    %max3A_186 = arith.maximumf %gather3A_183, %max3A_185 : vector<16xf32>
    %mul3A_187 = arith.constant 1.000000e+00 : f32
    %mul3A_188 = vector.broadcast %mul3A_187 : f32 to vector<16xf32>
    %mul3A_189 = arith.mulf %max3A_186, %mul3A_188 : vector<16xf32>
    %swap3A_190 = arith.constant 48 : index
    %swap3A_191 = tpu.vector_load %arg14[%swap3A_190] {strides = array<i32>} : memref<64xf32, #tpu.memory_space<vmem>>, vector<16xf32>,
    tpu.vector_store %arg14[%swap3A_190], %mul3A_189 {strides = array<i32>} : memref<64xf32, #tpu.memory_space<vmem>>, vector<16xf32>,
    "tpu.region"() ({
      %run_scoped3A = tpu.sem_alloc : memref<!tpu.dma_semaphore, #tpu.memory_space<semaphore_mem>>
      tpu.enqueue_dma source(%arg9 : memref<64xf32, #tpu.memory_space<hbm>>) target(%arg16 : memref<64xf32, #tpu.memory_space<vmem>>) target_semaphore(%run_scoped3A : memref<!tpu.dma_semaphore, #tpu.memory_space<semaphore_mem>>)
      tpu.wait_dma2 semaphore(%run_scoped3A : memref<!tpu.dma_semaphore, #tpu.memory_space<semaphore_mem>>) src(%arg9 : memref<64xf32, #tpu.memory_space<hbm>>) dst(%arg16 : memref<64xf32, #tpu.memory_space<vmem>>)
      tpu.yield
    }) : () -> ()
    %iota3A_192 = tpu.iota {dimensions = array<i32: 0>} : vector<16xi32>
    %add3A_193 = arith.constant 0 : i32
    %add3A_194 = vector.broadcast %add3A_193 : i32 to vector<16xi32>
    %add3A_195 = arith.addi %iota3A_192, %add3A_194 : vector<16xi32>
    %shift_right_logical3A_196 = arith.constant 3 : i32
    %shift_right_logical3A_197 = vector.broadcast %shift_right_logical3A_196 : i32 to vector<16xi32>
    %shift_right_logical3A_198 = arith.shrui %add3A_195, %shift_right_logical3A_197 : vector<16xi32>
    %and3A_199 = arith.constant 7 : i32
    %and3A_200 = vector.broadcast %and3A_199 : i32 to vector<16xi32>
    %and3A_201 = arith.andi %add3A_195, %and3A_200 : vector<16xi32>
    %min3A_202 = arith.minsi %shift_right_logical3A_198, %and3A_201 : vector<16xi32>
    %max3A_203 = arith.maxsi %shift_right_logical3A_198, %and3A_201 : vector<16xi32>
    %shift_left3A_204 = arith.constant 3 : i32
    %shift_left3A_205 = vector.broadcast %shift_left3A_204 : i32 to vector<16xi32>
    %shift_left3A_206 = arith.shli %min3A_202, %shift_left3A_205 : vector<16xi32>
    %or3A_207 = arith.ori %shift_left3A_206, %max3A_203 : vector<16xi32>
    %gather3A_208 = tpu.vector_load_idx %arg16[%or3A_207] : memref<64xf32, #tpu.memory_space<vmem>>[vector<16xi32>], vector<16xf32>,
    %max3A_209 = arith.constant 0.000000e+00 : f32
    %max3A_210 = vector.broadcast %max3A_209 : f32 to vector<16xf32>
    %max3A_211 = arith.maximumf %gather3A_208, %max3A_210 : vector<16xf32>
    %mul3A_212 = arith.constant 2.000000e+00 : f32
    %mul3A_213 = vector.broadcast %mul3A_212 : f32 to vector<16xf32>
    %mul3A_214 = arith.mulf %max3A_211, %mul3A_213 : vector<16xf32>
    %swap3A_215 = arith.constant 0 : index
    %swap3A_216 = tpu.vector_load %arg15[%swap3A_215] {strides = array<i32>} : memref<64xf32, #tpu.memory_space<vmem>>, vector<16xf32>,
    tpu.vector_store %arg15[%swap3A_215], %mul3A_214 {strides = array<i32>} : memref<64xf32, #tpu.memory_space<vmem>>, vector<16xf32>,
    %iota3A_217 = tpu.iota {dimensions = array<i32: 0>} : vector<16xi32>
    %add3A_218 = arith.constant 16 : i32
    %add3A_219 = vector.broadcast %add3A_218 : i32 to vector<16xi32>
    %add3A_220 = arith.addi %iota3A_217, %add3A_219 : vector<16xi32>
    %shift_right_logical3A_221 = arith.constant 3 : i32
    %shift_right_logical3A_222 = vector.broadcast %shift_right_logical3A_221 : i32 to vector<16xi32>
    %shift_right_logical3A_223 = arith.shrui %add3A_220, %shift_right_logical3A_222 : vector<16xi32>
    %and3A_224 = arith.constant 7 : i32
    %and3A_225 = vector.broadcast %and3A_224 : i32 to vector<16xi32>
    %and3A_226 = arith.andi %add3A_220, %and3A_225 : vector<16xi32>
    %min3A_227 = arith.minsi %shift_right_logical3A_223, %and3A_226 : vector<16xi32>
    %max3A_228 = arith.maxsi %shift_right_logical3A_223, %and3A_226 : vector<16xi32>
    %shift_left3A_229 = arith.constant 3 : i32
    %shift_left3A_230 = vector.broadcast %shift_left3A_229 : i32 to vector<16xi32>
    %shift_left3A_231 = arith.shli %min3A_227, %shift_left3A_230 : vector<16xi32>
    %or3A_232 = arith.ori %shift_left3A_231, %max3A_228 : vector<16xi32>
    %gather3A_233 = tpu.vector_load_idx %arg16[%or3A_232] : memref<64xf32, #tpu.memory_space<vmem>>[vector<16xi32>], vector<16xf32>,
    %max3A_234 = arith.constant 0.000000e+00 : f32
    %max3A_235 = vector.broadcast %max3A_234 : f32 to vector<16xf32>
    %max3A_236 = arith.maximumf %gather3A_233, %max3A_235 : vector<16xf32>
    %mul3A_237 = arith.constant 2.000000e+00 : f32
    %mul3A_238 = vector.broadcast %mul3A_237 : f32 to vector<16xf32>
    %mul3A_239 = arith.mulf %max3A_236, %mul3A_238 : vector<16xf32>
    %swap3A_240 = arith.constant 16 : index
    %swap3A_241 = tpu.vector_load %arg15[%swap3A_240] {strides = array<i32>} : memref<64xf32, #tpu.memory_space<vmem>>, vector<16xf32>,
    tpu.vector_store %arg15[%swap3A_240], %mul3A_239 {strides = array<i32>} : memref<64xf32, #tpu.memory_space<vmem>>, vector<16xf32>,
    %iota3A_242 = tpu.iota {dimensions = array<i32: 0>} : vector<16xi32>
    %add3A_243 = arith.constant 32 : i32
    %add3A_244 = vector.broadcast %add3A_243 : i32 to vector<16xi32>
    %add3A_245 = arith.addi %iota3A_242, %add3A_244 : vector<16xi32>
    %shift_right_logical3A_246 = arith.constant 3 : i32
    %shift_right_logical3A_247 = vector.broadcast %shift_right_logical3A_246 : i32 to vector<16xi32>
    %shift_right_logical3A_248 = arith.shrui %add3A_245, %shift_right_logical3A_247 : vector<16xi32>
    %and3A_249 = arith.constant 7 : i32
    %and3A_250 = vector.broadcast %and3A_249 : i32 to vector<16xi32>
    %and3A_251 = arith.andi %add3A_245, %and3A_250 : vector<16xi32>
    %min3A_252 = arith.minsi %shift_right_logical3A_248, %and3A_251 : vector<16xi32>
    %max3A_253 = arith.maxsi %shift_right_logical3A_248, %and3A_251 : vector<16xi32>
    %shift_left3A_254 = arith.constant 3 : i32
    %shift_left3A_255 = vector.broadcast %shift_left3A_254 : i32 to vector<16xi32>
    %shift_left3A_256 = arith.shli %min3A_252, %shift_left3A_255 : vector<16xi32>
    %or3A_257 = arith.ori %shift_left3A_256, %max3A_253 : vector<16xi32>
    %gather3A_258 = tpu.vector_load_idx %arg16[%or3A_257] : memref<64xf32, #tpu.memory_space<vmem>>[vector<16xi32>], vector<16xf32>,
    %max3A_259 = arith.constant 0.000000e+00 : f32
    %max3A_260 = vector.broadcast %max3A_259 : f32 to vector<16xf32>
    %max3A_261 = arith.maximumf %gather3A_258, %max3A_260 : vector<16xf32>
    %mul3A_262 = arith.constant 2.000000e+00 : f32
    %mul3A_263 = vector.broadcast %mul3A_262 : f32 to vector<16xf32>
    %mul3A_264 = arith.mulf %max3A_261, %mul3A_263 : vector<16xf32>
    %swap3A_265 = arith.constant 32 : index
    %swap3A_266 = tpu.vector_load %arg15[%swap3A_265] {strides = array<i32>} : memref<64xf32, #tpu.memory_space<vmem>>, vector<16xf32>,
    tpu.vector_store %arg15[%swap3A_265], %mul3A_264 {strides = array<i32>} : memref<64xf32, #tpu.memory_space<vmem>>, vector<16xf32>,
    %iota3A_267 = tpu.iota {dimensions = array<i32: 0>} : vector<16xi32>
    %add3A_268 = arith.constant 48 : i32
    %add3A_269 = vector.broadcast %add3A_268 : i32 to vector<16xi32>
    %add3A_270 = arith.addi %iota3A_267, %add3A_269 : vector<16xi32>
    %shift_right_logical3A_271 = arith.constant 3 : i32
    %shift_right_logical3A_272 = vector.broadcast %shift_right_logical3A_271 : i32 to vector<16xi32>
    %shift_right_logical3A_273 = arith.shrui %add3A_270, %shift_right_logical3A_272 : vector<16xi32>
    %and3A_274 = arith.constant 7 : i32
    %and3A_275 = vector.broadcast %and3A_274 : i32 to vector<16xi32>
    %and3A_276 = arith.andi %add3A_270, %and3A_275 : vector<16xi32>
    %min3A_277 = arith.minsi %shift_right_logical3A_273, %and3A_276 : vector<16xi32>
    %max3A_278 = arith.maxsi %shift_right_logical3A_273, %and3A_276 : vector<16xi32>
    %shift_left3A_279 = arith.constant 3 : i32
    %shift_left3A_280 = vector.broadcast %shift_left3A_279 : i32 to vector<16xi32>
    %shift_left3A_281 = arith.shli %min3A_277, %shift_left3A_280 : vector<16xi32>
    %or3A_282 = arith.ori %shift_left3A_281, %max3A_278 : vector<16xi32>
    %gather3A_283 = tpu.vector_load_idx %arg16[%or3A_282] : memref<64xf32, #tpu.memory_space<vmem>>[vector<16xi32>], vector<16xf32>,
    %max3A_284 = arith.constant 0.000000e+00 : f32
    %max3A_285 = vector.broadcast %max3A_284 : f32 to vector<16xf32>
    %max3A_286 = arith.maximumf %gather3A_283, %max3A_285 : vector<16xf32>
    %mul3A_287 = arith.constant 2.000000e+00 : f32
    %mul3A_288 = vector.broadcast %mul3A_287 : f32 to vector<16xf32>
    %mul3A_289 = arith.mulf %max3A_286, %mul3A_288 : vector<16xf32>
    %swap3A_290 = arith.constant 48 : index
    %swap3A_291 = tpu.vector_load %arg15[%swap3A_290] {strides = array<i32>} : memref<64xf32, #tpu.memory_space<vmem>>, vector<16xf32>,
    tpu.vector_store %arg15[%swap3A_290], %mul3A_289 {strides = array<i32>} : memref<64xf32, #tpu.memory_space<vmem>>, vector<16xf32>,
    %broadcast_in_dim3A = arith.constant 0.000000e+00 : f32
    %broadcast_in_dim3A_292 = vector.broadcast %broadcast_in_dim3A : f32 to vector<16xf32>
    %scan3A = arith.constant 0 : i32
    %scan3A_293 = arith.constant 0 : i32
    %scan3A_294 = arith.constant 784 : i32
    %scan3A_295 = arith.addi %scan3A_293, %scan3A_294 : i32
    %scan3A_296 = arith.constant 1 : i32
    %scan3A_297 = scf.for %scan3A_308 = %scan3A_293 to %scan3A_295 step %scan3A_296 iter_args(%scan3A_309 = %scan3A) -> (i32)  : i32 {
      %swap3A_310 = arith.index_cast %scan3A_308 : i32 to index
      %swap3A_311 = arith.constant 0 : index
      %swap3A_312 = tpu.vector_load %arg11[%swap3A_310, %swap3A_311] {strides = array<i32>} : memref<784x128xf32, #tpu.memory_space<vmem>>, vector<16xf32>,
      tpu.vector_store %arg11[%swap3A_310, %swap3A_311], %broadcast_in_dim3A_292 {strides = array<i32>} : memref<784x128xf32, #tpu.memory_space<vmem>>, vector<16xf32>,
      %swap3A_313 = arith.index_cast %scan3A_308 : i32 to index
      %swap3A_314 = arith.constant 16 : index
      %swap3A_315 = tpu.vector_load %arg11[%swap3A_313, %swap3A_314] {strides = array<i32>} : memref<784x128xf32, #tpu.memory_space<vmem>>, vector<16xf32>,
      tpu.vector_store %arg11[%swap3A_313, %swap3A_314], %broadcast_in_dim3A_292 {strides = array<i32>} : memref<784x128xf32, #tpu.memory_space<vmem>>, vector<16xf32>,
      %swap3A_316 = arith.index_cast %scan3A_308 : i32 to index
      %swap3A_317 = arith.constant 32 : index
      %swap3A_318 = tpu.vector_load %arg11[%swap3A_316, %swap3A_317] {strides = array<i32>} : memref<784x128xf32, #tpu.memory_space<vmem>>, vector<16xf32>,
      tpu.vector_store %arg11[%swap3A_316, %swap3A_317], %broadcast_in_dim3A_292 {strides = array<i32>} : memref<784x128xf32, #tpu.memory_space<vmem>>, vector<16xf32>,
      %swap3A_319 = arith.index_cast %scan3A_308 : i32 to index
      %swap3A_320 = arith.constant 48 : index
      %swap3A_321 = tpu.vector_load %arg11[%swap3A_319, %swap3A_320] {strides = array<i32>} : memref<784x128xf32, #tpu.memory_space<vmem>>, vector<16xf32>,
      tpu.vector_store %arg11[%swap3A_319, %swap3A_320], %broadcast_in_dim3A_292 {strides = array<i32>} : memref<784x128xf32, #tpu.memory_space<vmem>>, vector<16xf32>,
      %swap3A_322 = arith.index_cast %scan3A_308 : i32 to index
      %swap3A_323 = arith.constant 64 : index
      %swap3A_324 = tpu.vector_load %arg11[%swap3A_322, %swap3A_323] {strides = array<i32>} : memref<784x128xf32, #tpu.memory_space<vmem>>, vector<16xf32>,
      tpu.vector_store %arg11[%swap3A_322, %swap3A_323], %broadcast_in_dim3A_292 {strides = array<i32>} : memref<784x128xf32, #tpu.memory_space<vmem>>, vector<16xf32>,
      %swap3A_325 = arith.index_cast %scan3A_308 : i32 to index
      %swap3A_326 = arith.constant 80 : index
      %swap3A_327 = tpu.vector_load %arg11[%swap3A_325, %swap3A_326] {strides = array<i32>} : memref<784x128xf32, #tpu.memory_space<vmem>>, vector<16xf32>,
      tpu.vector_store %arg11[%swap3A_325, %swap3A_326], %broadcast_in_dim3A_292 {strides = array<i32>} : memref<784x128xf32, #tpu.memory_space<vmem>>, vector<16xf32>,
      %swap3A_328 = arith.index_cast %scan3A_308 : i32 to index
      %swap3A_329 = arith.constant 96 : index
      %swap3A_330 = tpu.vector_load %arg11[%swap3A_328, %swap3A_329] {strides = array<i32>} : memref<784x128xf32, #tpu.memory_space<vmem>>, vector<16xf32>,
      tpu.vector_store %arg11[%swap3A_328, %swap3A_329], %broadcast_in_dim3A_292 {strides = array<i32>} : memref<784x128xf32, #tpu.memory_space<vmem>>, vector<16xf32>,
      %swap3A_331 = arith.index_cast %scan3A_308 : i32 to index
      %swap3A_332 = arith.constant 112 : index
      %swap3A_333 = tpu.vector_load %arg11[%swap3A_331, %swap3A_332] {strides = array<i32>} : memref<784x128xf32, #tpu.memory_space<vmem>>, vector<16xf32>,
      tpu.vector_store %arg11[%swap3A_331, %swap3A_332], %broadcast_in_dim3A_292 {strides = array<i32>} : memref<784x128xf32, #tpu.memory_space<vmem>>, vector<16xf32>,
      %scan3A_334 = arith.constant 0 : i32
      scf.yield %scan3A_334 : i32
    }
    %scan3A_298 = arith.constant 784 : i32
    %mul3A_299 = arith.constant 200000 : i32
    %mul3A_300 = arith.muli %add3A, %mul3A_299 : i32
    %scan3A_301 = arith.constant 0 : i32
    %scan3A_302 = arith.constant 0 : i32
    %scan3A_303 = arith.constant 500 : i32
    %scan3A_304 = arith.addi %scan3A_302, %scan3A_303 : i32
    %scan3A_305 = arith.constant 1 : i32
    %scan3A_306 = scf.for %scan3A_308 = %scan3A_302 to %scan3A_304 step %scan3A_305 iter_args(%scan3A_309 = %scan3A_301) -> (i32)  : i32 {
      %mul3A_310 = arith.constant 400 : i32
      %mul3A_311 = arith.muli %scan3A_308, %mul3A_310 : i32
      %add3A_312 = arith.addi %mul3A_300, %mul3A_311 : i32
      "tpu.region"() ({
        %run_scoped3A = tpu.sem_alloc : memref<!tpu.dma_semaphore, #tpu.memory_space<semaphore_mem>>
        %dma_start3A = tpu.memref_slice %arg2[%add3A_312] : memref<6400000xi32, #tpu.memory_space<hbm>> -> memref<400xi32, #tpu.memory_space<hbm>>
        %dma_start3A_321 = tpu.memref_slice %arg2[%add3A_312] : memref<6400000xi32, #tpu.memory_space<hbm>> -> memref<400xi32, #tpu.memory_space<hbm>>
        tpu.enqueue_dma source(%dma_start3A_321 : memref<400xi32, #tpu.memory_space<hbm>>) target(%arg17 : memref<400xi32, #tpu.memory_space<vmem>>) target_semaphore(%run_scoped3A : memref<!tpu.dma_semaphore, #tpu.memory_space<semaphore_mem>>)
        %dma_wait3A = tpu.memref_slice %arg2[%add3A_312] : memref<6400000xi32, #tpu.memory_space<hbm>> -> memref<400xi32, #tpu.memory_space<hbm>>
        %dma_wait3A_322 = tpu.memref_slice %arg2[%add3A_312] : memref<6400000xi32, #tpu.memory_space<hbm>> -> memref<400xi32, #tpu.memory_space<hbm>>
        tpu.wait_dma2 semaphore(%run_scoped3A : memref<!tpu.dma_semaphore, #tpu.memory_space<semaphore_mem>>) src(%dma_wait3A_322 : memref<400xi32, #tpu.memory_space<hbm>>) dst(%arg17 : memref<400xi32, #tpu.memory_space<vmem>>)
        tpu.yield
      }) : () -> ()
      "tpu.region"() ({
        %run_scoped3A = tpu.sem_alloc : memref<!tpu.dma_semaphore, #tpu.memory_space<semaphore_mem>>
        %dma_start3A = tpu.memref_slice %arg3[%add3A_312] : memref<6400000xi32, #tpu.memory_space<hbm>> -> memref<400xi32, #tpu.memory_space<hbm>>
        %dma_start3A_321 = tpu.memref_slice %arg3[%add3A_312] : memref<6400000xi32, #tpu.memory_space<hbm>> -> memref<400xi32, #tpu.memory_space<hbm>>
        tpu.enqueue_dma source(%dma_start3A_321 : memref<400xi32, #tpu.memory_space<hbm>>) target(%arg18 : memref<400xi32, #tpu.memory_space<vmem>>) target_semaphore(%run_scoped3A : memref<!tpu.dma_semaphore, #tpu.memory_space<semaphore_mem>>)
        %dma_wait3A = tpu.memref_slice %arg3[%add3A_312] : memref<6400000xi32, #tpu.memory_space<hbm>> -> memref<400xi32, #tpu.memory_space<hbm>>
        %dma_wait3A_322 = tpu.memref_slice %arg3[%add3A_312] : memref<6400000xi32, #tpu.memory_space<hbm>> -> memref<400xi32, #tpu.memory_space<hbm>>
        tpu.wait_dma2 semaphore(%run_scoped3A : memref<!tpu.dma_semaphore, #tpu.memory_space<semaphore_mem>>) src(%dma_wait3A_322 : memref<400xi32, #tpu.memory_space<hbm>>) dst(%arg18 : memref<400xi32, #tpu.memory_space<vmem>>)
        tpu.yield
      }) : () -> ()
      "tpu.region"() ({
        %run_scoped3A = tpu.sem_alloc : memref<!tpu.dma_semaphore, #tpu.memory_space<semaphore_mem>>
        %dma_start3A = tpu.memref_slice %arg5[%add3A_312] : memref<6400000xf32, #tpu.memory_space<hbm>> -> memref<400xf32, #tpu.memory_space<hbm>>
        %dma_start3A_321 = tpu.memref_slice %arg5[%add3A_312] : memref<6400000xf32, #tpu.memory_space<hbm>> -> memref<400xf32, #tpu.memory_space<hbm>>
        tpu.enqueue_dma source(%dma_start3A_321 : memref<400xf32, #tpu.memory_space<hbm>>) target(%arg19 : memref<400xf32, #tpu.memory_space<vmem>>) target_semaphore(%run_scoped3A : memref<!tpu.dma_semaphore, #tpu.memory_space<semaphore_mem>>)
        %dma_wait3A = tpu.memref_slice %arg5[%add3A_312] : memref<6400000xf32, #tpu.memory_space<hbm>> -> memref<400xf32, #tpu.memory_space<hbm>>
        %dma_wait3A_322 = tpu.memref_slice %arg5[%add3A_312] : memref<6400000xf32, #tpu.memory_space<hbm>> -> memref<400xf32, #tpu.memory_space<hbm>>
        tpu.wait_dma2 semaphore(%run_scoped3A : memref<!tpu.dma_semaphore, #tpu.memory_space<semaphore_mem>>) src(%dma_wait3A_322 : memref<400xf32, #tpu.memory_space<hbm>>) dst(%arg19 : memref<400xf32, #tpu.memory_space<vmem>>)
        tpu.yield
      }) : () -> ()
      "tpu.region"() ({
        %run_scoped3A = tpu.sem_alloc : memref<!tpu.dma_semaphore, #tpu.memory_space<semaphore_mem>>
        %dma_start3A = tpu.memref_slice %arg6[%add3A_312] : memref<6400000xf32, #tpu.memory_space<hbm>> -> memref<400xf32, #tpu.memory_space<hbm>>
        %dma_start3A_321 = tpu.memref_slice %arg6[%add3A_312] : memref<6400000xf32, #tpu.memory_space<hbm>> -> memref<400xf32, #tpu.memory_space<hbm>>
        tpu.enqueue_dma source(%dma_start3A_321 : memref<400xf32, #tpu.memory_space<hbm>>) target(%arg20 : memref<400xf32, #tpu.memory_space<vmem>>) target_semaphore(%run_scoped3A : memref<!tpu.dma_semaphore, #tpu.memory_space<semaphore_mem>>)
        %dma_wait3A = tpu.memref_slice %arg6[%add3A_312] : memref<6400000xf32, #tpu.memory_space<hbm>> -> memref<400xf32, #tpu.memory_space<hbm>>
        %dma_wait3A_322 = tpu.memref_slice %arg6[%add3A_312] : memref<6400000xf32, #tpu.memory_space<hbm>> -> memref<400xf32, #tpu.memory_space<hbm>>
        tpu.wait_dma2 semaphore(%run_scoped3A : memref<!tpu.dma_semaphore, #tpu.memory_space<semaphore_mem>>) src(%dma_wait3A_322 : memref<400xf32, #tpu.memory_space<hbm>>) dst(%arg20 : memref<400xf32, #tpu.memory_space<vmem>>)
        tpu.yield
      }) : () -> ()
      %scan3A_313 = arith.constant 0 : i32
      %scan3A_314 = arith.constant 0 : i32
      %scan3A_315 = arith.constant 25 : i32
      %scan3A_316 = arith.addi %scan3A_314, %scan3A_315 : i32
      %scan3A_317 = arith.constant 1 : i32
      %scan3A_318 = scf.for %scan3A_321 = %scan3A_314 to %scan3A_316 step %scan3A_317 iter_args(%scan3A_322 = %scan3A_313) -> (i32)  : i32 {
        %mul3A_323 = arith.constant 16 : i32
        %mul3A_324 = arith.muli %scan3A_321, %mul3A_323 : i32
        %get3A = arith.index_cast %mul3A_324 : i32 to index
        %get3A_325 = tpu.vector_load %arg17[%get3A] {strides = array<i32>} : memref<400xi32, #tpu.memory_space<vmem>>, vector<16xi32>,
        %get3A_326 = arith.index_cast %mul3A_324 : i32 to index
        %get3A_327 = tpu.vector_load %arg18[%get3A_326] {strides = array<i32>} : memref<400xi32, #tpu.memory_space<vmem>>, vector<16xi32>,
        %shift_right_logical3A_328 = arith.constant 2 : i32
        %shift_right_logical3A_329 = vector.broadcast %shift_right_logical3A_328 : i32 to vector<16xi32>
        %shift_right_logical3A_330 = arith.shrui %get3A_325, %shift_right_logical3A_329 : vector<16xi32>
        %gather3A_331 = tpu.vector_load_idx %arg12[%shift_right_logical3A_330] : memref<25000xi32, #tpu.memory_space<vmem>>[vector<16xi32>], vector<16xi32>,
        %and3A_332 = arith.constant 3 : i32
        %and3A_333 = vector.broadcast %and3A_332 : i32 to vector<16xi32>
        %and3A_334 = arith.andi %get3A_325, %and3A_333 : vector<16xi32>
        %shift_left3A_335 = arith.constant 3 : i32
        %shift_left3A_336 = vector.broadcast %shift_left3A_335 : i32 to vector<16xi32>
        %shift_left3A_337 = arith.shli %and3A_334, %shift_left3A_336 : vector<16xi32>
        %shift_right_logical3A_338 = arith.shrui %gather3A_331, %shift_left3A_337 : vector<16xi32>
        %and3A_339 = arith.constant 7 : i32
        %and3A_340 = vector.broadcast %and3A_339 : i32 to vector<16xi32>
        %and3A_341 = arith.andi %shift_right_logical3A_338, %and3A_340 : vector<16xi32>
        %shift_right_logical3A_342 = arith.constant 2 : i32
        %shift_right_logical3A_343 = vector.broadcast %shift_right_logical3A_342 : i32 to vector<16xi32>
        %shift_right_logical3A_344 = arith.shrui %get3A_327, %shift_right_logical3A_343 : vector<16xi32>
        %gather3A_345 = tpu.vector_load_idx %arg12[%shift_right_logical3A_344] : memref<25000xi32, #tpu.memory_space<vmem>>[vector<16xi32>], vector<16xi32>,
        %and3A_346 = arith.constant 3 : i32
        %and3A_347 = vector.broadcast %and3A_346 : i32 to vector<16xi32>
        %and3A_348 = arith.andi %get3A_327, %and3A_347 : vector<16xi32>
        %shift_left3A_349 = arith.constant 3 : i32
        %shift_left3A_350 = vector.broadcast %shift_left3A_349 : i32 to vector<16xi32>
        %shift_left3A_351 = arith.shli %and3A_348, %shift_left3A_350 : vector<16xi32>
        %shift_right_logical3A_352 = arith.shrui %gather3A_345, %shift_left3A_351 : vector<16xi32>
        %and3A_353 = arith.constant 7 : i32
        %and3A_354 = vector.broadcast %and3A_353 : i32 to vector<16xi32>
        %and3A_355 = arith.andi %shift_right_logical3A_352, %and3A_354 : vector<16xi32>
        %shift_left3A_356 = arith.constant 3 : i32
        %shift_left3A_357 = vector.broadcast %shift_left3A_356 : i32 to vector<16xi32>
        %shift_left3A_358 = arith.shli %and3A_341, %shift_left3A_357 : vector<16xi32>
        %or3A_359 = arith.ori %shift_left3A_358, %and3A_355 : vector<16xi32>
        %gather3A_360 = tpu.vector_load_idx %arg13[%or3A_359] : memref<64xf32, #tpu.memory_space<vmem>>[vector<16xi32>], vector<16xf32>,
        %gather3A_361 = tpu.vector_load_idx %arg14[%or3A_359] : memref<64xf32, #tpu.memory_space<vmem>>[vector<16xi32>], vector<16xf32>,
        %gather3A_362 = tpu.vector_load_idx %arg15[%or3A_359] : memref<64xf32, #tpu.memory_space<vmem>>[vector<16xi32>], vector<16xf32>,
        %get3A_363 = arith.index_cast %mul3A_324 : i32 to index
        %get3A_364 = tpu.vector_load %arg19[%get3A_363] {strides = array<i32>} : memref<400xf32, #tpu.memory_space<vmem>>, vector<16xf32>,
        %get3A_365 = arith.index_cast %mul3A_324 : i32 to index
        %get3A_366 = tpu.vector_load %arg20[%get3A_365] {strides = array<i32>} : memref<400xf32, #tpu.memory_space<vmem>>, vector<16xf32>,
        %sub3A = arith.subf %get3A_364, %gather3A_361 : vector<16xf32>
        %div3A = arith.divf %gather3A_360, %sub3A : vector<16xf32>
        %mul3A_367 = arith.mulf %div3A, %div3A : vector<16xf32>
        %mul3A_368 = arith.mulf %mul3A_367, %mul3A_367 : vector<16xf32>
        %mul3A_369 = arith.mulf %mul3A_368, %mul3A_367 : vector<16xf32>
        %mul3A_370 = arith.mulf %gather3A_362, %get3A_366 : vector<16xf32>
        %mul3A_371 = arith.mulf %mul3A_369, %mul3A_369 : vector<16xf32>
        %sub3A_372 = arith.subf %mul3A_371, %mul3A_369 : vector<16xf32>
        %mul3A_373 = arith.mulf %mul3A_370, %sub3A_372 : vector<16xf32>
        %shift_right_logical3A_374 = arith.constant 7 : i32
        %shift_right_logical3A_375 = vector.broadcast %shift_right_logical3A_374 : i32 to vector<16xi32>
        %shift_right_logical3A_376 = arith.shrui %get3A_325, %shift_right_logical3A_375 : vector<16xi32>
        %and3A_377 = arith.constant 127 : i32
        %and3A_378 = vector.broadcast %and3A_377 : i32 to vector<16xi32>
        %and3A_379 = arith.andi %get3A_325, %and3A_378 : vector<16xi32>
        tpu.vector_store_idx %arg11[%shift_right_logical3A_376, %and3A_379], %mul3A_373 {add = true} : memref<784x128xf32, #tpu.memory_space<vmem>>[vector<16xi32>, vector<16xi32>], vector<16xf32>,
        %scan3A_380 = arith.constant 0 : i32
        scf.yield %scan3A_380 : i32
      }
      %scan3A_319 = arith.constant 25 : i32
      %scan3A_320 = arith.constant 0 : i32
      scf.yield %scan3A_320 : i32
    }
    %scan3A_307 = arith.constant 500 : i32
    "tpu.region"() ({
      %run_scoped3A = tpu.sem_alloc : memref<!tpu.dma_semaphore, #tpu.memory_space<semaphore_mem>>
      %dma_start3A = arith.constant 0 : i32
      %dma_start3A_308 = arith.constant 0 : i32
      %dma_start3A_309 = tpu.memref_slice %arg10[%add3A, %dma_start3A, %dma_start3A_308] : memref<32x784x128xf32, #tpu.memory_space<hbm>> -> memref<1x784x128xf32, #tpu.memory_space<hbm>>
      %dma_start3A_310 = tpu.memref_squeeze %dma_start3A_309 : memref<1x784x128xf32, #tpu.memory_space<hbm>> -> memref<784x128xf32, #tpu.memory_space<hbm>>
      %dma_start3A_311 = arith.constant 0 : i32
      %dma_start3A_312 = arith.constant 0 : i32
      %dma_start3A_313 = tpu.memref_slice %arg10[%add3A, %dma_start3A_311, %dma_start3A_312] : memref<32x784x128xf32, #tpu.memory_space<hbm>> -> memref<1x784x128xf32, #tpu.memory_space<hbm>>
      %dma_start3A_314 = tpu.memref_squeeze %dma_start3A_313 : memref<1x784x128xf32, #tpu.memory_space<hbm>> -> memref<784x128xf32, #tpu.memory_space<hbm>>
      tpu.enqueue_dma source(%arg11 : memref<784x128xf32, #tpu.memory_space<vmem>>) target(%dma_start3A_314 : memref<784x128xf32, #tpu.memory_space<hbm>>) target_semaphore(%run_scoped3A : memref<!tpu.dma_semaphore, #tpu.memory_space<semaphore_mem>>)
      %dma_wait3A = arith.constant 0 : i32
      %dma_wait3A_315 = arith.constant 0 : i32
      %dma_wait3A_316 = tpu.memref_slice %arg10[%add3A, %dma_wait3A, %dma_wait3A_315] : memref<32x784x128xf32, #tpu.memory_space<hbm>> -> memref<1x784x128xf32, #tpu.memory_space<hbm>>
      %dma_wait3A_317 = tpu.memref_squeeze %dma_wait3A_316 : memref<1x784x128xf32, #tpu.memory_space<hbm>> -> memref<784x128xf32, #tpu.memory_space<hbm>>
      %dma_wait3A_318 = arith.constant 0 : i32
      %dma_wait3A_319 = arith.constant 0 : i32
      %dma_wait3A_320 = tpu.memref_slice %arg10[%add3A, %dma_wait3A_318, %dma_wait3A_319] : memref<32x784x128xf32, #tpu.memory_space<hbm>> -> memref<1x784x128xf32, #tpu.memory_space<hbm>>
      %dma_wait3A_321 = tpu.memref_squeeze %dma_wait3A_320 : memref<1x784x128xf32, #tpu.memory_space<hbm>> -> memref<784x128xf32, #tpu.memory_space<hbm>>
      tpu.wait_dma2 semaphore(%run_scoped3A : memref<!tpu.dma_semaphore, #tpu.memory_space<semaphore_mem>>) src(%arg11 : memref<784x128xf32, #tpu.memory_space<vmem>>) dst(%dma_wait3A_321 : memref<784x128xf32, #tpu.memory_space<hbm>>)
      tpu.yield
    }) : () -> ()
    return
  }
}

module attributes {stable_mosaic.version = 14 : i64} {
  func.func @_combine_body(%arg0: i32, %arg1: memref<32x112x128xf32, #tpu.memory_space<vmem>>, %arg2: memref<112x128xf32, #tpu.memory_space<vmem>>) attributes {dimension_semantics = [#tpu.dimension_semantics<arbitrary>], iteration_bounds = array<i64: 7>, scalar_prefetch = 0 : i64, scratch_operands = 0 : i64, tpu.core_type = #tpu.core_type<tc>, window_params = [{transform_indices = @transform_0, window_bounds = array<i64: 32, 112, 128>}, {transform_indices = @transform_1, window_bounds = array<i64: 112, 128>}]} {
    %get3A = arith.constant 0 : index
    %get3A_0 = arith.constant 0 : index
    %get3A_1 = arith.constant 0 : index
    %get3A_2 = vector.load %arg1[%get3A, %get3A_0, %get3A_1] : memref<32x112x128xf32, #tpu.memory_space<vmem>>, vector<32x112x128xf32>
    %reduce_sum3A = arith.constant dense<0.000000e+00> : vector<112x128xf32>
    %reduce_sum3A_3 = vector.multi_reduction <add>, %get3A_2, %reduce_sum3A [0] : vector<32x112x128xf32> to vector<112x128xf32>
    %swap3A = arith.constant 0 : index
    %swap3A_4 = arith.constant 0 : index
    %swap3A_5 = vector.load %arg2[%swap3A, %swap3A_4] : memref<112x128xf32, #tpu.memory_space<vmem>>, vector<112x128xf32>
    tpu.vector_store %arg2[%swap3A, %swap3A_4], %reduce_sum3A_3 {strides = array<i32>} : memref<112x128xf32, #tpu.memory_space<vmem>>, vector<112x128xf32>,
    return
  }
  func.func @transform_0(%arg0: i32) -> (i32, i32, i32) {
    %c0_i32 = arith.constant 0 : i32
    %c0_i32_0 = arith.constant 0 : i32
    %c0_i32_1 = arith.constant 0 : i32
    return %c0_i32, %arg0, %c0_i32_0 : i32, i32, i32
  }
  func.func @transform_1(%arg0: i32) -> (i32, i32) {
    %c0_i32 = arith.constant 0 : i32
    %c0_i32_0 = arith.constant 0 : i32
    return %arg0, %c0_i32 : i32, i32
  }
}

</mosaic_0001>

<sc_bundles>
// kernel: kernel.4.cloned.1.call-start
scs
__scs_entry_jumppad:
0x0: {  	(pc) =	sbr.rel $0x88, $3  }
0x1: {  	(tag) =	ssettag $0x0;
	lr =	simm.s32 $0x1  }
0x2: {  	[smem:$0x3F9A] =	sst lr;
	_ =	strace $0xD0000000  }
0x3: {  	_ = 	snop  }
0x4: {  	_ = 	snop  }
0x5: {  	_ = 	snop  }
0x6: {  	_ = 	snop  }
0x7: {  	_ = 	snop  }
__scs_overlays_trampoline_lowered:
0x8: {  	[smem:$0x3FA9] =	sst s0  }
0x9: {  	[smem:$0x3FAA] =	sst s1  }
0xa: {  	[smem:$0x3FAB] =	sst s2  }
0xb: {  	[smem:$0x3FAC] =	sst s3  }
0xc: {  	[smem:$0x3FAD] =	sst s4  }
0xd: {  	[smem:$0x3FAE] =	sst s5  }
0xe: {  	[smem:$0x3FAF] =	sst s6  }
0xf: {  	[smem:$0x3FB0] =	sst s7  }
0x10: {  	[smem:$0x3FB1] =	sst s8  }
0x11: {  	[smem:$0x3FB2] =	sst s9;
	s0 =	simm.s32 @!p0 $0x0  }
0x12: {  	s1 =	sld [smem:$0x3F98];
	s0 =	simm.s32 @p0 $0x1  }
0x13: {  	[smem:$0x3FB3] =	sst s0;
	s0 =	simm.s32 @!p1 $0x0  }
0x14: {  	s2 =	sld [smem:$0x3F97];
	s0 =	simm.s32 @p1 $0x1  }
0x15: {  	[smem:$0x3FB4] =	sst s0;
	s0 =	simm.s32 @!p2 $0x0  }
0x16: {  	s3 =	sld [smem:$0x3FDB];
	s0 =	simm.s32 @p2 $0x1  }
0x17: {  	s4 =	simm.s32 $0x1BF5;
	[smem:$0x3FB6] =	sst s0  }
0x18: {  	s0 =	sld [smem:$0x3F99];
	_ =	swait.ge [sflag:s4], $0x0  }
0x19: {  	s7 =	sld [smem:$0x3F9A]  }
0x1a: {  	s8 =	sadd.s32 $0xFFFFE003, lr  }
0x1b: {  	s9 =	sadd.s32 $0xFFFFFEF7, lr;
	s5 =	simm.s32 $0xFFFFFFFF;
	p2 =	slt.u32 s8, $0xFFFFF086  }
0x1c: {  	p1 =	slt.u32 s9, $0xF7A;
	s5 =	simm.s32 @!p2 $0x0  }
0x1d: {  	s5 =	simm.s32 @p1 $0x1;
	p0 =	seq.s32 s7, s2  }
0x1e: {  	s7 =	smul.u32 @!p0 $0xF7A, s2;
	p2 =	seq.s32 @!p0 s5, $0x0  }
0x1f: {  	s9 =	smul.u32 $0xF7A, s1;
	s8 =	simm.s32 @!p0 $0x1BF5;
	p2 =	por !p2, p0  }
0x20: {  	[sflag:s8] =	ssyncset.s32 @!p0 $0xFFFFF086;
	s6 =	sadd.s32 @!p0 s3, s7;
	s7 =	simm.s32 @!p0 $0x108  }
0x21: {  	s3 =	sadd.s32 s3, s9;
	s6 =	sadd.s32 @!p0 $0x88, s6;
	s7 =	simm.s32 @p2 $0x1082  }
0x22: {  	[simem:s7], [sflag:s8] =	dma.local @!p0 [hbm:s6], $0xF7A  }
0x23: {  	s9 =	sor.u32 $0xD0000000, s2;
	s6 =	simm.s32 $0x108;
	_ =	swait.ge @!p0 [sflag:s8], $0x0  }
0x24: {  	s3 =	sadd.s32 $0x88, s3;
	s6 =	simm.s32 @!p1 $0x1082;
	[sflag:s4] =	ssyncset.s32 $0xFFFFF086  }
0x25: {  	[simem:s6], [sflag:s4] =	dma.local [hbm:s3], $0xF7A  }
0x26: {  	[smem:$0x3F9A] =	sst s1;
	(tag) =	ssettag s2;
	_ =	strace s9  }
0x27: {  	s1 =	sld [smem:$0x3FAA]  }
0x28: {  	s2 =	sld [smem:$0x3FAB]  }
0x29: {  	s4 =	sld [smem:$0x3FAD]  }
0x2a: {  	p0 =	seq.s32 s5, $0x0;
	s5 =	sld [smem:$0x3FAE]  }
0x2b: {  	s6 =	sld [smem:$0x3FAF]  }
0x2c: {  	s7 =	sld [smem:$0x3FB0]  }
0x2d: {  	s3 =	simm.s32 $0x108;
	s8 =	sld [smem:$0x3FB1]  }
0x2e: {  	s3 =	simm.s32 @!p0 $0x1082;
	s9 =	sld [smem:$0x3FB2]  }
0x2f: {  	lr =	sadd.s32 s0, s3;
	s0 =	sld [smem:$0x3FA9]  }
0x30: {  	s3 =	sld [smem:$0x3FAC]  }
0x31: {  	[smem:$0x3FB5] =	sst s10  }
0x32: {  	s10 =	sld [smem:$0x3FB3];
	_ =	sdelay $0x3  }
0x33: {  	p0 =	seq.s32 s10, $0x1;
	s10 =	sld [smem:$0x3FB5];
	_ =	sdelay $0x3  }
0x34: {  	[smem:$0x3FB5] =	sst s10  }
0x35: {  	s10 =	sld [smem:$0x3FB4];
	_ =	sdelay $0x3  }
0x36: {  	p1 =	seq.s32 s10, $0x1;
	s10 =	sld [smem:$0x3FB5];
	_ =	sdelay $0x3  }
0x37: {  	[smem:$0x3FB5] =	sst s10  }
0x38: {  	s10 =	sld [smem:$0x3FB6]  }
0x39: {  	_ = 	snop;
	(pc) =	sbr.ind lr, $3  }
0x3a: {  	_ = 	snop  }
0x3b: {  	_ = 	snop  }
0x3c: {  	p2 =	seq.s32 s10, $0x1;
	s10 =	sld [smem:$0x3FB5]  }
0x3d: {  	_ =	shalt  }
0x3e: {  	_ =	shalt  }
0x3f: {  	_ =	shalt  }
0x40: {  	_ =	shalt  }
0x41: {  	_ =	shalt  }
0x42: {  	_ =	shalt  }
0x43: {  	_ =	shalt  }
0x44: {  	_ =	shalt  }
0x45: {  	_ =	shalt  }
0x46: {  	_ =	shalt  }
0x47: {  	_ =	shalt  }
0x48: {  	_ =	shalt  }
0x49: {  	_ =	shalt  }
0x4a: {  	_ =	shalt  }
0x4b: {  	_ =	shalt  }
0x4c: {  	_ =	shalt  }
0x4d: {  	_ =	shalt  }
0x4e: {  	_ =	shalt  }
0x4f: {  	_ =	shalt  }
0x50: {  	_ =	shalt  }
0x51: {  	_ =	shalt  }
0x52: {  	_ =	shalt  }
0x53: {  	_ =	shalt  }
0x54: {  	_ =	shalt  }
0x55: {  	_ =	shalt  }
0x56: {  	_ =	shalt  }
0x57: {  	_ =	shalt  }
0x58: {  	_ =	shalt  }
0x59: {  	_ =	shalt  }
0x5a: {  	_ =	shalt  }
0x5b: {  	_ =	shalt  }
0x5c: {  	_ =	shalt  }
0x5d: {  	_ =	shalt  }
0x5e: {  	_ =	shalt  }
0x5f: {  	_ =	shalt  }
0x60: {  	_ =	shalt  }
0x61: {  	_ =	shalt  }
0x62: {  	_ =	shalt  }
0x63: {  	_ =	shalt  }
0x64: {  	_ =	shalt  }
0x65: {  	_ =	shalt  }
0x66: {  	_ =	shalt  }
0x67: {  	_ =	shalt  }
0x68: {  	_ =	shalt  }
0x69: {  	_ =	shalt  }
0x6a: {  	_ =	shalt  }
0x6b: {  	_ =	shalt  }
0x6c: {  	_ =	shalt  }
0x6d: {  	_ =	shalt  }
0x6e: {  	_ =	shalt  }
0x6f: {  	_ =	shalt  }
0x70: {  	_ =	shalt  }
0x71: {  	_ =	shalt  }
0x72: {  	_ =	shalt  }
0x73: {  	_ =	shalt  }
0x74: {  	_ =	shalt  }
0x75: {  	_ =	shalt  }
0x76: {  	_ =	shalt  }
0x77: {  	_ =	shalt  }
0x78: {  	_ =	shalt  }
0x79: {  	_ =	shalt  }
0x7a: {  	_ =	shalt  }
0x7b: {  	_ =	shalt  }
0x7c: {  	_ =	shalt  }
0x7d: {  	_ =	shalt  }
0x7e: {  	_ =	shalt  }
0x7f: {  	_ =	shalt  }
0x80: {  	_ =	shalt  }
0x81: {  	_ =	shalt  }
0x82: {  	_ =	shalt  }
0x83: {  	_ =	shalt  }
0x84: {  	_ =	shalt  }
0x85: {  	_ =	shalt  }
0x86: {  	_ =	shalt  }
0x87: {  	_ =	shalt  }
.Lfunc_end0:
.L_simem_size_0:
called_computation_lowered:
.L_overlay_start_0:
0x88: {  	s2 =	sld [smem:$0x3FD9]  }
0x89: {  	s3 =	sld [smem:$0x3FFE];
	_ =	sdelay $0x1  }
0x8a: {  	s1 =	srdreg.scid  }
0x8b: {  	s0 =	sand.u32 $0x1, s1  }
0x8c: {  	s17 =	sshll.u32 s0, $0xA;
	s2 =	sadd.s32 s3, s2  }
0x8d: {  	s2 =	sadd.s32 s2, s17  }
0x8e: {  	[smem:$0x3FC1] =	sst s2  }
0x8f: {  	_ = 	snop  }
0x90: {  	s2 =	sld [smem:$0x3FC7]  }
0x91: {  	s18 =	sld [smem:$0x3FC6]  }
0x92: {  	s4 =	sld [smem:$0x3FD0];
	(tm) =	ssettm $0x1  }
0x93: {  	s5 =	sld [smem:$0x3FFB];
	_ =	sdelay $0x3  }
0x94: {  	_ =	strace s5  }
0x95: {  	s5 =	sld [smem:$0x3FFC];
	_ =	sdelay $0x3  }
0x96: {  	_ =	strace s5  }
0x97: {  	s5 =	sld [smem:$0x3FFD];
	_ =	sdelay $0x3  }
0x98: {  	_ =	strace s5  }
0x99: {  	_ =	strace $0x8FFFFFFF  }
0x9a: {  	s19 =	sld [smem:$0x3FDB];
	_ =	sdelay $0x1  }
0x9b: {  	s6 =	simm.s32 $_scs_section_size  }
0x9c: {  	s7 =	simm.s32 $_size__tile_overlayer_lowered;
	s8 =	simm.s32 $_tile_overlayer_lowered  }
0x9d: {  	s22 =	simm.s32 $0x1BFF;
	s21 =	sshll.u32 s8, $0x1;
	s5 =	sadd.s32 s6, s19  }
0x9e: {  	s9 =	simm.s32 $0x0;
	s20 =	sshll.u32 s7, $0x1;
	s7 =	sadd.s32 s21, s5  }
0x9f: {  	[timem:s9], [sflag:s22] =	dma.local [hbm:s7], s20  }
0xa0: {  	_ =	swait.ge [sflag:s22], s20  }
0xa1: {  	s6 =	ssub.s32 $0x0, s20;
	[sflag:s22] =	ssyncset.done $0x0  }
0xa2: {  	[sflag:s22] =	ssyncadd.s32 s6;
	_ =	sdelay $0x1  }
0xa3: {  	s23 =	simm.s32 $0x1B8B  }
0xa4: {  	_ =	swait.ge [sflag:s23], $0x1  }
0xa5: {  	[sflag:s23] =	ssyncset.done $0x0  }
0xa6: {  	s25 =	simm.s32 $0x1B8E;
	s24 =	sld [smem:$0x3FFE];
	[sflag:s23] =	ssyncadd.s32 $0xFFFFFFFF  }
0xa7: {  	s26 =	simm.s32 $execute0_lowered;
	[smem:$0x3FD2] =	sst s25  }
0xa8: {  	s7 =	sshll.u32 s26, $0x1;
	_ =	strace $0x80000046;
	[dreg:$0x1] =	wrdreg $0xFFFFFFFF  }
0xa9: {  	s28 =	simm.s32 $_size_execute0_lowered;
	s5 =	sadd.s32 s5, s7;
	[dreg:$0x0] =	wrdreg $0x0  }
0xaa: {  	s7 =	sshll.u32 s28, $0x1;
	[dreg:$0x2] =	wrdreg s5  }
0xab: {  	[dreg:$0x3] =	wrdreg s7  }
0xac: {  	[dreg:$0x4] =	wrdreg $0xC0  }
0xad: {  	_ =	task [dreg:s9], $0x5FFFF  }
0xae: {  	[dreg:$0x1] =	wrdreg $0xFFFFFFFF  }
0xaf: {  	[dreg:$0x0] =	wrdreg $0x60  }
0xb0: {  	[dreg:$0x2] =	wrdreg s24  }
0xb1: {  	[dreg:$0x3] =	wrdreg s4  }
0xb2: {  	[dreg:$0x4] =	wrdreg s2  }
0xb3: {  	[dreg:$0x5] =	wrdreg s18  }
0xb4: {  	[dreg:$0x6] =	wrdreg $0x9  }
0xb5: {  	_ =	task.clear_ibuf [dreg:s9], $0x7FFFF;
	_ =	strace $0x90000046  }
0xb6: {  	s29 =	simm.s32 $0x9;
	_ =	strace $0x80000048  }
0xb7: {  	_ =	swait.ge [sflag:s29], $0x1  }
0xb8: {  	[sflag:s29] =	ssyncadd.s32 $0xFFFFFFFF  }
0xb9: {  	_ =	strace $0x90000048  }
0xba: {  	_ =	sfence  }
0xbb: {  	s30 =	sld [smem:$0x0];
	_ =	sdelay $0x2  }
0xbc: {  	s31 =	sshll.u32 s1, $0xD;
	s1 =	sshrl.u32 s1, $0x2  }
0xbd: {  	s3 =	sand.u32 $0x4000, s31;
	s1 =	sadd.s32 s1, s30  }
0xbe: {  	s0 =	sor.u32 s3, s0;
	s1 =	sshll.u32 s1, $0x11  }
0xbf: {  	s0 =	sor.u32 s1, s0  }
0xc0: {  	s0 =	sadd.s32 $0x8F2B, s0  }
0xc1: {  	[sflag:s0] =	ssyncadd.remote.s32 $0x1  }
0xc2: {  	_ =	sfence.sel $0xFFFF  }
0xc3: {  	[dreg:$0x0] =	wrdreg $0xFFFFFFFF;
	(pc) =	sbr.abs _section_cstart, $3  }
0xc4: {  	[dreg:$0x1] =	wrdreg $0xFFFFFFFF  }
0xc5: {  	_ =	task.clear_ibuf [dreg:s9], $0x2FFFF;
	_ =	strace $0x9FFFFFFF  }
0xc6: {  	(tm) =	ssettm $0x7FFFFFFF  }
0xc7: {  	_ =	shalt  }
tec
execute0_lowered:
.L_overlay_start_1:
0x0: {  	(tag) =	ssettag $0x1  }
0x1: {  	v0 =	vimm.s32 $0xFEDCBA91;
	s11 =	rddreg [dreg:$0x0]  }
0x2: {  	v1 =	vimm.s32 $0x76543210;
	s0 =	rddreg [dreg:$0x1];
	v2 =	vimm.s32 $0x1B130B03;
	v3 =	vimm.s32 $0x1F1E1D1C  }
0x3: {  	s2 =	rddreg [dreg:$0x2];
	v4 =	vimm.s32 $0x13120A02;
	v5 =	vimm.s32 $0x17161514;
	vm0 =	vcmask $0x1F10  }
0x4: {  	s3 =	rddreg [dreg:$0x3];
	v6 =	vimm.s32 $0x2F2E2D25;
	v7 =	vimm.s32 $0x27262524;
	v8 =	vimm.s32 $0x1F170F07  }
0x5: {  	s5 =	srdreg.scid;
	s1 =	rddreg [dreg:$0x4];
	s4 =	simm.s32 $0x0;
	v9 =	vimm.s32 $0x3F372F27;
	v10 =	vimm.s32 $0x1E160E06;
	v11 =	vimm.s32 $0x37362E26  }
0x6: {  	s17 =	simm.s32 $0x1EC00;
	s18 =	simm.s32 $0x1EE00;
	s19 =	simm.s32 $0x1F000;
	v0 =	vunpack.c.l.s4.s8 v0;
	v1 =	vunpack.c.l.s4.s8 v1;
	v2 =	vunpack.c.0.s8.s32 v2  }
0x7: {  	s20 =	simm.s32 $0x1F200;
	s21 =	simm.s32 $0x1EA00;
	s22 =	simm.s32 $0x1EA80;
	v3 =	vunpack.c.0.s8.s32 v3;
	v4 =	vunpack.c.0.s8.s32 v4;
	v5 =	vunpack.c.0.s8.s32 v5  }
0x8: {  	s23 =	simm.s32 $0x1EB00;
	s24 =	simm.s32 $0x0;
	s12 =	sand.u32 $0x1, s5;
	v7 =	vunpack.c.0.s8.s32 v7;
	v8 =	vunpack.c.0.s8.s32 v8;
	v9 =	vunpack.c.0.s8.s32 v9  }
0x9: {  	[smem:$0x7FF] =	sst s4;
	s5 =	stileid.u32;
	s6 =	sadd.s32 $0xC4000, s11;
	v10 =	vunpack.c.0.s8.s32 v10;
	v0 =	vunpack.c.0.s8.s32 v0;
	v1 =	vunpack.c.0.s8.s32 v1  }
0xa: {  	s8 =	sadd.s32 $0x400, s11;
	s9 =	sadd.s32 $0x600, s11;
	s7 =	sshll.u32 s12, $0x4;
	v2 =	vsel vm0, v3, v2;
	v3 =	vimm.s32 $0x1D150D05;
	v4 =	vsel vm0, v5, v4  }
0xb: {  	s10 =	sadd.s32 $0x800, s11;
	s15 =	ssub.s32 $0x2, s12;
	s13 =	sor.u32 s5, s7;
	v5 =	vunpack.c.0.s8.s32 v6;
	v6 =	vimm.s32 $0x1C140C04;
	v3 =	vunpack.c.0.s8.s32 v3  }
0xc: {  	v11 =	vunpack.c.0.s8.s32 v11;
	_ =	strace $0x80000047;
	s16 =	sshrl.u32 s15, $0x1;
	s14 =	smul.u32 $0x3100, s13;
	v6 =	vunpack.c.0.s8.s32 v6;
	v0 =	vand.u32 $0xF, v0  }
0xd: {  	s7 =	sadd.s32 $0xA00, s11;
	s31 =	ssub.s32 s15, s16;
	s15 =	simm.s32 $0x1;
	v0 =	vcombine.low v1, v0;
	v1 =	vcombine.low v4, v2;
	v2 =	vsel vm0, v5, v3  }
0xe: {  	s16 =	simm.s32 $0x1EB80;
	s14 =	sadd.s32 s14, s11;
	s11 =	smul.u32 $0x30D40, s13;
	v3 =	vsel vm0, v7, v6;
	v4 =	vsel vm0, v9, v8;
	v5 =	vsel vm0, v11, v10  }
0xf: {  	s13 =	smax.u32 s31, $0x1;
	s12 =	sadd.s32 $0x187600, s14;
	s14 =	simm.s32 $0x18800;
	v2 =	vcombine.low v3, v2;
	v3 =	vcombine.low v5, v4;
	v4 =	vimm.f32 $0.0e+00  }
.LBB2_1:
0x10: {  	[tilespmem:s14], [sflag:$0x1] =	stream.linear.gather [hbm4b:s0+s4], $0x6200, $0x38;
	[tilespmem:$0x1F400] =	vst v63  }
0x11: {  	_ =	swait.ge [sflag:s15], $0x6200  }
0x12: {  	[sflag:s15] =	ssyncset.done $0x0  }
0x13: {  	[sflag:s15] =	ssyncadd.s32 $0xFFFF9E00  }
0x14: {  	[tilespmem:s16], [sflag:$0x1] =	stream.linear.gather [hbm4b:s8+s4], $0x80, $0x38;
	[tilespmem:$0x1F400] =	vst v63  }
0x15: {  	_ =	swait.ge [sflag:s15], $0x80  }
0x16: {  	[sflag:s15] =	ssyncset.done $0x0  }
0x17: {  	[sflag:s15] =	ssyncadd.s32 $0xFFFFFF80  }
0x18: {  	v5 =	vld.idx.msk [tilespmem:v0+s16+$0x0], $0xffff;
	_ =	sdelay $0x4  }
0x19: {  	v5 =	vmax.f32 v5, $0.0e+00  }
0x1a: {  	[tilespmem:$0x1EA00] =	vst v5  }
0x1b: {  	v5 =	vld.idx.msk [tilespmem:v1+s16+$0x0], $0xffff;
	_ =	sdelay $0x4  }
0x1c: {  	v5 =	vmax.f32 v5, $0.0e+00  }
0x1d: {  	[tilespmem:$0x1EA10] =	vst v5  }
0x1e: {  	v5 =	vld.idx.msk [tilespmem:v2+s16+$0x0], $0xffff;
	_ =	sdelay $0x4  }
0x1f: {  	v5 =	vmax.f32 v5, $0.0e+00  }
0x20: {  	[tilespmem:$0x1EA20] =	vst v5  }
0x21: {  	v5 =	vld.idx.msk [tilespmem:v3+s16+$0x0], $0xffff;
	_ =	sdelay $0x4  }
0x22: {  	v5 =	vmax.f32 v5, $0.0e+00  }
0x23: {  	[tilespmem:$0x1EA30] =	vst v5  }
0x24: {  	[tilespmem:s16], [sflag:$0x1] =	stream.linear.gather [hbm4b:s9+s4], $0x80, $0x38;
	[tilespmem:$0x1F400] =	vst v63  }
0x25: {  	_ =	swait.ge [sflag:s15], $0x80  }
0x26: {  	[sflag:s15] =	ssyncset.done $0x0  }
0x27: {  	[sflag:s15] =	ssyncadd.s32 $0xFFFFFF80  }
0x28: {  	v5 =	vld.idx.msk [tilespmem:v0+s16+$0x0], $0xffff;
	_ =	sdelay $0x4  }
0x29: {  	v5 =	vmax.f32 v5, $0.0e+00  }
0x2a: {  	[tilespmem:$0x1EA80] =	vst v5  }
0x2b: {  	v5 =	vld.idx.msk [tilespmem:v1+s16+$0x0], $0xffff;
	_ =	sdelay $0x4  }
0x2c: {  	v5 =	vmax.f32 v5, $0.0e+00  }
0x2d: {  	[tilespmem:$0x1EA90] =	vst v5  }
0x2e: {  	v5 =	vld.idx.msk [tilespmem:v2+s16+$0x0], $0xffff;
	_ =	sdelay $0x4  }
0x2f: {  	v5 =	vmax.f32 v5, $0.0e+00  }
0x30: {  	[tilespmem:$0x1EAA0] =	vst v5  }
0x31: {  	v5 =	vld.idx.msk [tilespmem:v3+s16+$0x0], $0xffff;
	_ =	sdelay $0x4  }
0x32: {  	v5 =	vmax.f32 v5, $0.0e+00  }
0x33: {  	[tilespmem:$0x1EAB0] =	vst v5  }
0x34: {  	[tilespmem:s16], [sflag:$0x1] =	stream.linear.gather [hbm4b:s10+s4], $0x80, $0x38;
	[tilespmem:$0x1F400] =	vst v63  }
0x35: {  	_ =	swait.ge [sflag:s15], $0x80  }
0x36: {  	[sflag:s15] =	ssyncset.done $0x0  }
0x37: {  	[sflag:s15] =	ssyncadd.s32 $0xFFFFFF80  }
0x38: {  	v5 =	vld.idx.msk [tilespmem:v0+s16+$0x0], $0xffff;
	_ =	sdelay $0x4  }
0x39: {  	v5 =	vmax.f32 v5, $0.0e+00  }
0x3a: {  	v5 =	vadd.f32 v5, v5;
	_ =	sdelay $0x1  }
0x3b: {  	[tilespmem:$0x1EB00] =	vst v5  }
0x3c: {  	v5 =	vld.idx.msk [tilespmem:v1+s16+$0x0], $0xffff;
	_ =	sdelay $0x4  }
0x3d: {  	v5 =	vmax.f32 v5, $0.0e+00  }
0x3e: {  	v5 =	vadd.f32 v5, v5;
	_ =	sdelay $0x1  }
0x3f: {  	[tilespmem:$0x1EB10] =	vst v5  }
0x40: {  	v5 =	vld.idx.msk [tilespmem:v2+s16+$0x0], $0xffff;
	_ =	sdelay $0x4  }
0x41: {  	v5 =	vmax.f32 v5, $0.0e+00  }
0x42: {  	v5 =	vadd.f32 v5, v5;
	_ =	sdelay $0x1  }
0x43: {  	[tilespmem:$0x1EB20] =	vst v5  }
0x44: {  	v5 =	vld.idx.msk [tilespmem:v3+s16+$0x0], $0xffff;
	_ =	sdelay $0x4  }
0x45: {  	v5 =	vmax.f32 v5, $0.0e+00  }
0x46: {  	v5 =	vadd.f32 v5, v5;
	_ =	sdelay $0x1  }
0x47: {  	s26 =	simm.s32 $0x0;
	s25 =	simm.s32 $0x200;
	[tilespmem:$0x1EB30] =	vst v5  }
.LBB2_2:
0x48: {  	p0 =	sne.s32 s25, $0x61E00;
	[tilespmem:s26+$0x70] =	vst v4  }
0x49: {  	[tilespmem:s26+$0x0] =	vst v4  }
0x4a: {  	[tilespmem:s26+$0x10] =	vst v4  }
.Ltmp0:
0x4b: {  	[tilespmem:s26+$0x20] =	vst v4;
	(pc) =	sbr.rel @p0 .LBB2_2-.Ltmp0, $4  }
0x4c: {  	[tilespmem:s26+$0x30] =	vst v4  }
0x4d: {  	[tilespmem:s26+$0x40] =	vst v4  }
0x4e: {  	[tilespmem:s26+$0x50] =	vst v4  }
0x4f: {  	[tilespmem:s26+$0x60] =	vst v4;
	s26 =	sshra.s32 s25, $0x2;
	s25 =	sadd.s32 $0x200, s25  }
0x50: {  	[tilespmem:s26+$0x70] =	vst v4  }
0x51: {  	[tilespmem:s26+$0x0] =	vst v4  }
0x52: {  	[tilespmem:s26+$0x10] =	vst v4  }
0x53: {  	[tilespmem:s26+$0x20] =	vst v4  }
0x54: {  	[tilespmem:s26+$0x30] =	vst v4  }
0x55: {  	[tilespmem:s26+$0x40] =	vst v4  }
0x56: {  	[tilespmem:s26+$0x50] =	vst v4  }
0x57: {  	s25 =	simm.s32 $0x0;
	[tilespmem:s26+$0x60] =	vst v4;
	s26 =	simm.s32 $0x0  }
.LBB2_4:
0x58: {  	s28 =	smul.u32 $0x190, s26;
	_ =	sdelay $0x1  }
0x59: {  	s28 =	sadd.s32 s11, s28  }
0x5a: {  	s28 =	sshrl.u32 s28, $0x3  }
0x5b: {  	s29 =	sadd.s32 s6, s28  }
0x5c: {  	[tilespmem:s17], [sflag:$0x1] =	stream.linear.gather [hbm4b:s29+s25], $0x190, $0x38;
	[tilespmem:$0x1F400] =	vst v63  }
0x5d: {  	_ =	swait.ge [sflag:s15], $0x190  }
0x5e: {  	[sflag:s15] =	ssyncset.done $0x0  }
0x5f: {  	s30 =	sadd.s32 s7, s28;
	[sflag:s15] =	ssyncadd.s32 $0xFFFFFE70  }
0x60: {  	[tilespmem:s18], [sflag:$0x1] =	stream.linear.gather [hbm4b:s30+s25], $0x190, $0x38;
	[tilespmem:$0x1F400] =	vst v63  }
0x61: {  	_ =	swait.ge [sflag:s15], $0x190  }
0x62: {  	[sflag:s15] =	ssyncset.done $0x0  }
0x63: {  	s31 =	sadd.s32 s2, s28;
	[sflag:s15] =	ssyncadd.s32 $0xFFFFFE70  }
0x64: {  	[tilespmem:s19], [sflag:$0x1] =	stream.linear.gather [hbm4b:s31+s25], $0x190, $0x38;
	[tilespmem:$0x1F400] =	vst v63  }
0x65: {  	_ =	swait.ge [sflag:s15], $0x190  }
0x66: {  	[sflag:s15] =	ssyncset.done $0x0  }
0x67: {  	s28 =	sadd.s32 s3, s28;
	[sflag:s15] =	ssyncadd.s32 $0xFFFFFE70  }
0x68: {  	[tilespmem:s20], [sflag:$0x1] =	stream.linear.gather [hbm4b:s28+s25], $0x190, $0x38;
	[tilespmem:$0x1F400] =	vst v63  }
0x69: {  	_ =	swait.ge [sflag:s15], $0x190  }
0x6a: {  	[sflag:s15] =	ssyncset.done $0x0  }
0x6b: {  	s28 =	simm.s32 $0x0;
	[sflag:s15] =	ssyncadd.s32 $0xFFFFFE70  }
.LBB2_5:
0x6c: {  	s29 =	sshra.s32 s28, $0x2  }
0x6d: {  	v5 =	vld [tilespmem:s29+$0x1EC00]  }
0x6e: {  	v6 =	vld [tilespmem:s29+$0x1EE00];
	_ =	sdelay $0x3  }
0x6f: {  	v7 =	vshrl.u32 v5, $0x2  }
0x70: {  	v8 =	vshrl.u32 v6, $0x2;
	_ =	sdelay $0x3  }
0x71: {  	v7 =	vld.idx.msk [tilespmem:v7+s14+$0x0], $0xffff  }
0x72: {  	v8 =	vld.idx.msk [tilespmem:v8+s14+$0x0], $0xffff;
	_ =	sdelay $0x1  }
0x73: {  	v9 =	vshll.u32 v5, $0x3  }
0x74: {  	v6 =	vshll.u32 v6, $0x3;
	v9 =	vand.u32 $0x18, v9  }
0x75: {  	v6 =	vand.u32 $0x18, v6;
	v7 =	vshrl.u32 v7, v9  }
0x76: {  	v6 =	vshrl.u32 v8, v6;
	v7 =	vshll.u32 v7, $0x3  }
0x77: {  	v6 =	vand.u32 $0x7, v6;
	v7 =	vand.u32 $0x38, v7  }
0x78: {  	v6 =	vor.u32 v6, v7;
	_ =	sdelay $0x3  }
0x79: {  	v60 =	vld [tilespmem:s29+$0x1F000]  }
0x7a: {  	v7 =	vld.idx.msk [tilespmem:v6+s22+$0x0], $0xffff;
	_ =	sdelay $0x4  }
0x7b: {  	v7 =	vsub.f32 v60, v7;
	_ =	sdelay $0x1  }
0x7c: {  	(erf) = vrcp.f32 v7;
	_ =	sdelay $0x4  }
0x7d: {  	v7 =	vld.idx.msk [tilespmem:v6+s21+$0x0], $0xffff;
	_ =	sdelay $0x3  }
0x7e: {  	v61 =	vpop (erf)  }
0x7f: {  	v7 =	vmul.f32 v61, v7;
	_ =	sdelay $0x1  }
0x80: {  	v7 =	vmul.f32 v7, v7;
	_ =	sdelay $0x1  }
0x81: {  	v63 =	vld [tilespmem:s29+$0x1F200];
	v62 =	vmul.f32 v7, v7  }
0x82: {  	v6 =	vld.idx.msk [tilespmem:v6+s23+$0x0], $0xffff  }
0x83: {  	v7 =	vmul.f32 v62, v7;
	_ =	sdelay $0x1  }
0x84: {  	v8 =	vmul.f32 v7, v7  }
0x85: {  	p0 =	sne.s32 s28, $0x600  }
.Ltmp1:
0x86: {  	v6 =	vmul.f32 v63, v6;
	v7 =	vsub.f32 v8, v7;
	(pc) =	sbr.rel @p0 .LBB2_5-.Ltmp1, $3  }
0x87: {  	_ = 	snop  }
0x88: {  	v6 =	vmul.f32 v7, v6;
	_ =	sdelay $0x1  }
0x89: {  	s28 =	sadd.s32 $0x40, s28;
	[tilespmem:v5+s4+$0x0] =	vst.idx.add.f32.msk $0xffff, v6  }
0x8a: {  	s26 =	sadd.s32 $0x1, s26  }
0x8b: {  	p0 =	sne.s32 s26, $0x1F4  }
.Ltmp2:
0x8c: {  	_ = 	snop;
	(pc) =	sbr.rel @p0 .LBB2_4-.Ltmp2, $1  }
0x8d: {  	_ =	sdelay $0x3  }
0x8e: {  	s24 =	sadd.s32 $0x1, s24  }
0x8f: {  	p0 =	sne.s32 s24, s13  }
.Ltmp3:
0x90: {  	_ = 	snop;
	(pc) =	sbr.rel @p0 .LBB2_1-.Ltmp3, $4  }
0x91: {  	[hbm4b:s12+s4] =	stream.linear.scatter [tilespmem:s4], [sflag:$0x1], $0x18800, $0x38;
	[tilespmem:$0x1F400] =	vst v63  }
0x92: {  	_ =	swait.ge [sflag:s15], $0x18800  }
0x93: {  	[sflag:s15] =	ssyncset.done $0x0  }
0x94: {  	[sflag:s15] =	ssyncadd.s32 $0xFFFE7800  }
0x95: {  	_ =	sfence.sel $0x180000  }
0x96: {  	[bflag:$0x0] =	sbarrier.arrive $0xFFFF  }
0x97: {  	p0 =	sne.s32 s5, $0x0;
	_ =	strace $0x90000047  }
0x98: {  	s0 =	sadd.s32 @!p0 $0x100000, s1;
	[bflag:$0x2] =	sbarrier.arrive $0xFFFF  }
0x99: {  	[sflag:s0] =	ssyncadd.tile.s32 @!p0 $0x1;
	_ =	shalt  }
.Lfunc_end2:
_tile_overlayer_lowered:
.L_overlay_start_2:
0x9a: {  	(tag) =	ssettag $0x2  }
0x9b: {  	s0 =	rddreg [dreg:$0x0];
	s2 =	stileid.u32  }
0x9c: {  	s1 =	rddreg [dreg:$0x1];
	p0 =	sne.s32 s2, $0x0  }
0x9d: {  	s3 =	rddreg [dreg:$0x2];
	[bflag:$0x3] =	sbarrier.arrive $0xFFFF;
	s2 =	simm.s32 @!p0 $0x1C01  }
0x9e: {  	[timem:s3], [sflag:s2] =	dma.local @!p0 [hbm:s0], s1  }
0x9f: {  	s0 =	simm.s32 @!p0 $0x1  }
0xa0: {  	_ =	swait.ge @!p0 [sflag:s0], s1  }
0xa1: {  	s1 =	ssub.s32 @!p0 $0x0, s1;
	[sflag:s0] =	ssyncset.done @!p0 $0x0  }
0xa2: {  	[sflag:s0] =	ssyncadd.s32 @!p0 s1  }
0xa3: {  	[bflag:$0x3] =	sbarrier.arrive $0xFFFF  }
0xa4: {  	_ =	shalt  }

</sc_bundles>
